<compile_context>
chip_gen: v7x
topology: tpu7x:2x2x1
jax: 0.10.2.dev20260603
libtpu: 0.0.44.dev20260713+nightly
codegen_flags: <defaults>
</compile_context>

<pallas_src>
import functools

import jax
import jax.numpy as jnp
from jax import lax
from jax.experimental import pallas as pl
from jax.experimental.pallas import tpu as pltpu
from jax.experimental.pallas import tpu_sc as plsc

BATCH = 16384
HIST = 200
EMBED = 32
VOCAB = 31
TOTAL = BATCH * HIST
LANES = 16
NW = 32
PER_TILE = TOTAL // NW
CHUNK = 1024
CN = CHUNK * EMBED
NCHUNK = PER_TILE // CHUNK


def _sc_embed(idx_flat, table_flat):
    mesh = plsc.VectorSubcoreMesh(core_axis_name="c", subcore_axis_name="s")

    @functools.partial(
        pl.kernel,
        mesh=mesh,
        out_type=jax.ShapeDtypeStruct((TOTAL * EMBED,), jnp.float32),
        scratch_types=[
            pltpu.VMEM((VOCAB * EMBED,), jnp.float32),
            pltpu.VMEM((CHUNK,), jnp.int32),
            pltpu.VMEM((2 * CN,), jnp.float32),
            pltpu.SemaphoreType.DMA((2,)),
        ],
        compiler_params=pltpu.CompilerParams(needs_layout_passes=False),
    )
    def k(idx_hbm, table_hbm, out_hbm, table_v, idx_v, rows_v, sem):
        wid = lax.axis_index("s") * 2 + lax.axis_index("c")
        in_base = wid * PER_TILE
        out_base = in_base * EMBED
        pltpu.sync_copy(table_hbm, table_v)
        lane = lax.iota(jnp.int32, LANES)
        lane_off = lane * EMBED

        def chunk_body(i, _):
            buf = lax.rem(i, 2)
            pltpu.sync_copy(idx_hbm.at[pl.ds(in_base + i * CHUNK, CHUNK)],
                            idx_v)

            @pl.when(i >= 2)
            def _():
                pltpu.make_async_copy(
                    rows_v.at[pl.ds(buf * CN, CN)],
                    out_hbm.at[pl.ds(0, CN)], sem.at[buf]).wait()

            @plsc.parallel_loop(0, CHUNK // LANES, unroll=2)
            def group_body(g):
                iv = idx_v[pl.ds(g * LANES, LANES)]
                rb = iv * EMBED
                diff = buf * CN + g * (LANES * EMBED) + lane_off - rb
                for t in range(EMBED):
                    ga = rb + (lane ^ t)
                    vals = plsc.load_gather(table_v, [ga])
                    plsc.store_scatter(rows_v, [ga + diff], vals)

            pltpu.async_copy(
                rows_v.at[pl.ds(buf * CN, CN)],
                out_hbm.at[pl.ds(out_base + i * CN, CN)],
                sem.at[buf])
            return ()

        lax.fori_loop(0, NCHUNK, chunk_body, ())
        for b in range(2):
            pltpu.make_async_copy(
                rows_v.at[pl.ds(b * CN, CN)],
                out_hbm.at[pl.ds(0, CN)], sem.at[b]).wait()

    return k(idx_flat, table_flat)


def kernel(monosaccharides, table):
    idx_flat = monosaccharides.reshape(TOTAL).astype(jnp.int32)
    out = _sc_embed(idx_flat, table.reshape(VOCAB * EMBED))
    return out.reshape(BATCH, HIST, EMBED)

# --- scband reference (transcript-rebuilt; emitter-appended) ---
"""Pipeline reference for scband-input-glycan-encoding-56049323213762 (READ-ONLY COPY).

The authoritative reference and input builder live on the scoring server;
editing this copy changes nothing except your own understanding.
"""

import jax, jax.numpy as jnp
import numpy as np

NUM_SYMBOLS = 30  # len(configs['data']['monosaccharides']['symbol'])
VOCAB = NUM_SYMBOLS + 1  # +1 for padding_idx=0
EMBED_DIM = 32  # configs['model']['hyperparams']['gly_embedding_dim']
BATCH = 16384
HIST = 200


def setup_inputs(seed: int = 0) -> dict:
    key = jax.random.key(seed)
    k_idx, k_tab = jax.random.split(key)
    monosaccharides = jax.random.randint(k_idx, (BATCH, HIST), 0, VOCAB, dtype=jnp.int64 if jax.config.jax_enable_x64 else jnp.int32)
    table = jax.random.normal(k_tab, (VOCAB, EMBED_DIM), dtype=jnp.float32)
    # nn.Embedding(padding_idx=0): padding row is zero
    table = table.at[0].set(jnp.zeros((EMBED_DIM,), dtype=jnp.float32))
    return {"monosaccharides": monosaccharides, "table": table}


def reference(monosaccharides, table):
    # gly = self.gly_embedding(batch.monosaccharides)
    gly = jnp.take(table, monosaccharides, axis=0)
    return gly

if __name__ == "__main__":
    import jax
    _d = setup_inputs()
    print(jax.jit(kernel)(*tuple(_d.values())))

</pallas_src>

<mosaic_0001>
#map = affine_map<(d0, d1) -> (0)>
module attributes {stable_mosaic.version = 14 : i64} {
  func.func @k(%arg0: i32, %arg1: i32, %arg2: memref<3276800xi32, #tpu.memory_space<hbm>>, %arg3: memref<992xf32, #tpu.memory_space<hbm>>, %arg4: memref<104857600xf32, #tpu.memory_space<hbm>>, %arg5: memref<992xf32, #tpu.memory_space<vmem>>, %arg6: memref<1024xi32, #tpu.memory_space<vmem>>, %arg7: memref<65536xf32, #tpu.memory_space<vmem>>, %arg8: memref<2x!tpu.dma_semaphore, #tpu.memory_space<semaphore_mem>>) attributes {dimension_semantics = [#tpu.dimension_semantics<core_parallel>, #tpu.dimension_semantics<subcore_parallel>], iteration_bounds = array<i64: 2, 16>, scalar_prefetch = 0 : i64, scratch_operands = 4 : i64, tpu.core_type = #tpu.core_type<sc_vector_subcore>, window_params = [{transform_indices = #map}, {transform_indices = #map}, {transform_indices = #map}]} {
    %mul3A = arith.constant 2 : i32
    %mul3A_0 = arith.muli %arg1, %mul3A : i32
    %add3A = arith.addi %mul3A_0, %arg0 : i32
    %mul3A_1 = arith.constant 102400 : i32
    %mul3A_2 = arith.muli %add3A, %mul3A_1 : i32
    %mul3A_3 = arith.constant 32 : i32
    %mul3A_4 = arith.muli %mul3A_2, %mul3A_3 : i32
    "tpu.region"() ({
      %run_scoped3A = tpu.sem_alloc : memref<!tpu.dma_semaphore, #tpu.memory_space<semaphore_mem>>
      tpu.enqueue_dma source(%arg3 : memref<992xf32, #tpu.memory_space<hbm>>) target(%arg5 : memref<992xf32, #tpu.memory_space<vmem>>) target_semaphore(%run_scoped3A : memref<!tpu.dma_semaphore, #tpu.memory_space<semaphore_mem>>)
      tpu.wait_dma2 semaphore(%run_scoped3A : memref<!tpu.dma_semaphore, #tpu.memory_space<semaphore_mem>>) src(%arg3 : memref<992xf32, #tpu.memory_space<hbm>>) dst(%arg5 : memref<992xf32, #tpu.memory_space<vmem>>)
      tpu.yield
    }) : () -> ()
    %iota3A = tpu.iota {dimensions = array<i32: 0>} : vector<16xi32>
    %mul3A_5 = arith.constant 32 : i32
    %mul3A_6 = vector.broadcast %mul3A_5 : i32 to vector<16xi32>
    %mul3A_7 = arith.muli %iota3A, %mul3A_6 : vector<16xi32>
    %scan3A = arith.constant 0 : i32
    %scan3A_8 = arith.constant 100 : i32
    %scan3A_9 = arith.addi %scan3A, %scan3A_8 : i32
    %scan3A_10 = arith.constant 1 : i32
    scf.for %scan3A_33 = %scan3A to %scan3A_9 step %scan3A_10  : i32 {
      %rem3A = arith.constant 2 : i32
      %rem3A_34 = arith.remsi %scan3A_33, %rem3A : i32
      %mul3A_35 = arith.constant 1024 : i32
      %mul3A_36 = arith.muli %scan3A_33, %mul3A_35 : i32
      %add3A_37 = arith.addi %mul3A_2, %mul3A_36 : i32
      "tpu.region"() ({
        %run_scoped3A = tpu.sem_alloc : memref<!tpu.dma_semaphore, #tpu.memory_space<semaphore_mem>>
        %dma_start3A_52 = tpu.memref_slice %arg2[%add3A_37] : memref<3276800xi32, #tpu.memory_space<hbm>> -> memref<1024xi32, #tpu.memory_space<hbm>>
        %dma_start3A_53 = tpu.memref_slice %arg2[%add3A_37] : memref<3276800xi32, #tpu.memory_space<hbm>> -> memref<1024xi32, #tpu.memory_space<hbm>>
        tpu.enqueue_dma source(%dma_start3A_53 : memref<1024xi32, #tpu.memory_space<hbm>>) target(%arg6 : memref<1024xi32, #tpu.memory_space<vmem>>) target_semaphore(%run_scoped3A : memref<!tpu.dma_semaphore, #tpu.memory_space<semaphore_mem>>)
        %dma_wait3A_54 = tpu.memref_slice %arg2[%add3A_37] : memref<3276800xi32, #tpu.memory_space<hbm>> -> memref<1024xi32, #tpu.memory_space<hbm>>
        %dma_wait3A_55 = tpu.memref_slice %arg2[%add3A_37] : memref<3276800xi32, #tpu.memory_space<hbm>> -> memref<1024xi32, #tpu.memory_space<hbm>>
        tpu.wait_dma2 semaphore(%run_scoped3A : memref<!tpu.dma_semaphore, #tpu.memory_space<semaphore_mem>>) src(%dma_wait3A_55 : memref<1024xi32, #tpu.memory_space<hbm>>) dst(%arg6 : memref<1024xi32, #tpu.memory_space<vmem>>)
        tpu.yield
      }) : () -> ()
      %ge3A = arith.constant 2 : i32
      %ge3A_38 = arith.cmpi sge, %scan3A_33, %ge3A : i32
      %convert_element_type3A = arith.extui %ge3A_38 : i1 to i32
      %cond3A = arith.constant 0 : i32
      %cond3A_39 = arith.cmpi ne, %convert_element_type3A, %cond3A : i32
      scf.if %cond3A_39 {
        %mul3A_52 = arith.constant 32768 : i32
        %mul3A_53 = arith.muli %rem3A_34, %mul3A_52 : i32
        %dma_wait3A_54 = tpu.memref_slice %arg7[%mul3A_53] : memref<65536xf32, #tpu.memory_space<vmem>> -> memref<32768xf32, #tpu.memory_space<vmem>>
        %dma_wait3A_55 = arith.constant 0 : i32
        %dma_wait3A_56 = tpu.memref_slice %arg4[%dma_wait3A_55] : memref<104857600xf32, #tpu.memory_space<hbm>> -> memref<32768xf32, #tpu.memory_space<hbm>>
        %dma_wait3A_57 = tpu.memref_slice %arg8[%rem3A_34] : memref<2x!tpu.dma_semaphore, #tpu.memory_space<semaphore_mem>> -> memref<1x!tpu.dma_semaphore, #tpu.memory_space<semaphore_mem>>
        %dma_wait3A_58 = tpu.memref_squeeze %dma_wait3A_57 : memref<1x!tpu.dma_semaphore, #tpu.memory_space<semaphore_mem>> -> memref<!tpu.dma_semaphore, #tpu.memory_space<semaphore_mem>>
        %dma_wait3A_59 = arith.constant 0 : i32
        %dma_wait3A_60 = tpu.memref_slice %arg4[%dma_wait3A_59] : memref<104857600xf32, #tpu.memory_space<hbm>> -> memref<32768xf32, #tpu.memory_space<hbm>>
        %dma_wait3A_61 = tpu.memref_slice %arg7[%mul3A_53] : memref<65536xf32, #tpu.memory_space<vmem>> -> memref<32768xf32, #tpu.memory_space<vmem>>
        tpu.wait_dma2 semaphore(%dma_wait3A_58 : memref<!tpu.dma_semaphore, #tpu.memory_space<semaphore_mem>>) src(%dma_wait3A_61 : memref<32768xf32, #tpu.memory_space<vmem>>) dst(%dma_wait3A_60 : memref<32768xf32, #tpu.memory_space<hbm>>)
      } else {
      }
      %parallel_loop3A = arith.constant 0 : i32
      %parallel_loop3A_40 = arith.constant 64 : i32
      %parallel_loop3A_41 = arith.constant 1 : i32
      scf.for %parallel_loop3A_52 = %parallel_loop3A to %parallel_loop3A_40 step %parallel_loop3A_41  : i32 {
        %parallel_loop3A_53 = arith.constant 16 : i32
        %parallel_loop3A_54 = arith.muli %parallel_loop3A_52, %parallel_loop3A_53 : i32
        %parallel_loop3A_55 = arith.index_cast %parallel_loop3A_54 : i32 to index
        %parallel_loop3A_56 = tpu.vector_load %arg6[%parallel_loop3A_55] {strides = array<i32>} : memref<1024xi32, #tpu.memory_space<vmem>>, vector<16xi32>,
        %parallel_loop3A_57 = arith.constant 32 : i32
        %parallel_loop3A_58 = vector.broadcast %parallel_loop3A_57 : i32 to vector<16xi32>
        %parallel_loop3A_59 = arith.muli %parallel_loop3A_56, %parallel_loop3A_58 : vector<16xi32>
        %parallel_loop3A_60 = arith.constant 32768 : i32
        %parallel_loop3A_61 = arith.muli %rem3A_34, %parallel_loop3A_60 : i32
        %parallel_loop3A_62 = arith.constant 512 : i32
        %parallel_loop3A_63 = arith.muli %parallel_loop3A_52, %parallel_loop3A_62 : i32
        %parallel_loop3A_64 = arith.addi %parallel_loop3A_61, %parallel_loop3A_63 : i32
        %parallel_loop3A_65 = vector.broadcast %parallel_loop3A_64 : i32 to vector<16xi32>
        %parallel_loop3A_66 = arith.addi %parallel_loop3A_65, %mul3A_7 : vector<16xi32>
        %parallel_loop3A_67 = arith.subi %parallel_loop3A_66, %parallel_loop3A_59 : vector<16xi32>
        %parallel_loop3A_68 = arith.constant 0 : i32
        %parallel_loop3A_69 = vector.broadcast %parallel_loop3A_68 : i32 to vector<16xi32>
        %parallel_loop3A_70 = arith.xori %iota3A, %parallel_loop3A_69 : vector<16xi32>
        %parallel_loop3A_71 = arith.addi %parallel_loop3A_59, %parallel_loop3A_70 : vector<16xi32>
        %parallel_loop3A_72 = tpu.vector_load_idx %arg5[%parallel_loop3A_71] : memref<992xf32, #tpu.memory_space<vmem>>[vector<16xi32>], vector<16xf32>,
        %parallel_loop3A_73 = arith.addi %parallel_loop3A_71, %parallel_loop3A_67 : vector<16xi32>
        tpu.vector_store_idx %arg7[%parallel_loop3A_73], %parallel_loop3A_72 : memref<65536xf32, #tpu.memory_space<vmem>>[vector<16xi32>], vector<16xf32>,
        %parallel_loop3A_74 = arith.constant 1 : i32
        %parallel_loop3A_75 = vector.broadcast %parallel_loop3A_74 : i32 to vector<16xi32>
        %parallel_loop3A_76 = arith.xori %iota3A, %parallel_loop3A_75 : vector<16xi32>
        %parallel_loop3A_77 = arith.addi %parallel_loop3A_59, %parallel_loop3A_76 : vector<16xi32>
        %parallel_loop3A_78 = tpu.vector_load_idx %arg5[%parallel_loop3A_77] : memref<992xf32, #tpu.memory_space<vmem>>[vector<16xi32>], vector<16xf32>,
        %parallel_loop3A_79 = arith.addi %parallel_loop3A_77, %parallel_loop3A_67 : vector<16xi32>
        tpu.vector_store_idx %arg7[%parallel_loop3A_79], %parallel_loop3A_78 : memref<65536xf32, #tpu.memory_space<vmem>>[vector<16xi32>], vector<16xf32>,
        %parallel_loop3A_80 = arith.constant 2 : i32
        %parallel_loop3A_81 = vector.broadcast %parallel_loop3A_80 : i32 to vector<16xi32>
        %parallel_loop3A_82 = arith.xori %iota3A, %parallel_loop3A_81 : vector<16xi32>
        %parallel_loop3A_83 = arith.addi %parallel_loop3A_59, %parallel_loop3A_82 : vector<16xi32>
        %parallel_loop3A_84 = tpu.vector_load_idx %arg5[%parallel_loop3A_83] : memref<992xf32, #tpu.memory_space<vmem>>[vector<16xi32>], vector<16xf32>,
        %parallel_loop3A_85 = arith.addi %parallel_loop3A_83, %parallel_loop3A_67 : vector<16xi32>
        tpu.vector_store_idx %arg7[%parallel_loop3A_85], %parallel_loop3A_84 : memref<65536xf32, #tpu.memory_space<vmem>>[vector<16xi32>], vector<16xf32>,
        %parallel_loop3A_86 = arith.constant 3 : i32
        %parallel_loop3A_87 = vector.broadcast %parallel_loop3A_86 : i32 to vector<16xi32>
        %parallel_loop3A_88 = arith.xori %iota3A, %parallel_loop3A_87 : vector<16xi32>
        %parallel_loop3A_89 = arith.addi %parallel_loop3A_59, %parallel_loop3A_88 : vector<16xi32>
        %parallel_loop3A_90 = tpu.vector_load_idx %arg5[%parallel_loop3A_89] : memref<992xf32, #tpu.memory_space<vmem>>[vector<16xi32>], vector<16xf32>,
        %parallel_loop3A_91 = arith.addi %parallel_loop3A_89, %parallel_loop3A_67 : vector<16xi32>
        tpu.vector_store_idx %arg7[%parallel_loop3A_91], %parallel_loop3A_90 : memref<65536xf32, #tpu.memory_space<vmem>>[vector<16xi32>], vector<16xf32>,
        %parallel_loop3A_92 = arith.constant 4 : i32
        %parallel_loop3A_93 = vector.broadcast %parallel_loop3A_92 : i32 to vector<16xi32>
        %parallel_loop3A_94 = arith.xori %iota3A, %parallel_loop3A_93 : vector<16xi32>
        %parallel_loop3A_95 = arith.addi %parallel_loop3A_59, %parallel_loop3A_94 : vector<16xi32>
        %parallel_loop3A_96 = tpu.vector_load_idx %arg5[%parallel_loop3A_95] : memref<992xf32, #tpu.memory_space<vmem>>[vector<16xi32>], vector<16xf32>,
        %parallel_loop3A_97 = arith.addi %parallel_loop3A_95, %parallel_loop3A_67 : vector<16xi32>
        tpu.vector_store_idx %arg7[%parallel_loop3A_97], %parallel_loop3A_96 : memref<65536xf32, #tpu.memory_space<vmem>>[vector<16xi32>], vector<16xf32>,
        %parallel_loop3A_98 = arith.constant 5 : i32
        %parallel_loop3A_99 = vector.broadcast %parallel_loop3A_98 : i32 to vector<16xi32>
        %parallel_loop3A_100 = arith.xori %iota3A, %parallel_loop3A_99 : vector<16xi32>
        %parallel_loop3A_101 = arith.addi %parallel_loop3A_59, %parallel_loop3A_100 : vector<16xi32>
        %parallel_loop3A_102 = tpu.vector_load_idx %arg5[%parallel_loop3A_101] : memref<992xf32, #tpu.memory_space<vmem>>[vector<16xi32>], vector<16xf32>,
        %parallel_loop3A_103 = arith.addi %parallel_loop3A_101, %parallel_loop3A_67 : vector<16xi32>
        tpu.vector_store_idx %arg7[%parallel_loop3A_103], %parallel_loop3A_102 : memref<65536xf32, #tpu.memory_space<vmem>>[vector<16xi32>], vector<16xf32>,
        %parallel_loop3A_104 = arith.constant 6 : i32
        %parallel_loop3A_105 = vector.broadcast %parallel_loop3A_104 : i32 to vector<16xi32>
        %parallel_loop3A_106 = arith.xori %iota3A, %parallel_loop3A_105 : vector<16xi32>
        %parallel_loop3A_107 = arith.addi %parallel_loop3A_59, %parallel_loop3A_106 : vector<16xi32>
        %parallel_loop3A_108 = tpu.vector_load_idx %arg5[%parallel_loop3A_107] : memref<992xf32, #tpu.memory_space<vmem>>[vector<16xi32>], vector<16xf32>,
        %parallel_loop3A_109 = arith.addi %parallel_loop3A_107, %parallel_loop3A_67 : vector<16xi32>
        tpu.vector_store_idx %arg7[%parallel_loop3A_109], %parallel_loop3A_108 : memref<65536xf32, #tpu.memory_space<vmem>>[vector<16xi32>], vector<16xf32>,
        %parallel_loop3A_110 = arith.constant 7 : i32
        %parallel_loop3A_111 = vector.broadcast %parallel_loop3A_110 : i32 to vector<16xi32>
        %parallel_loop3A_112 = arith.xori %iota3A, %parallel_loop3A_111 : vector<16xi32>
        %parallel_loop3A_113 = arith.addi %parallel_loop3A_59, %parallel_loop3A_112 : vector<16xi32>
        %parallel_loop3A_114 = tpu.vector_load_idx %arg5[%parallel_loop3A_113] : memref<992xf32, #tpu.memory_space<vmem>>[vector<16xi32>], vector<16xf32>,
        %parallel_loop3A_115 = arith.addi %parallel_loop3A_113, %parallel_loop3A_67 : vector<16xi32>
        tpu.vector_store_idx %arg7[%parallel_loop3A_115], %parallel_loop3A_114 : memref<65536xf32, #tpu.memory_space<vmem>>[vector<16xi32>], vector<16xf32>,
        %parallel_loop3A_116 = arith.constant 8 : i32
        %parallel_loop3A_117 = vector.broadcast %parallel_loop3A_116 : i32 to vector<16xi32>
        %parallel_loop3A_118 = arith.xori %iota3A, %parallel_loop3A_117 : vector<16xi32>
        %parallel_loop3A_119 = arith.addi %parallel_loop3A_59, %parallel_loop3A_118 : vector<16xi32>
        %parallel_loop3A_120 = tpu.vector_load_idx %arg5[%parallel_loop3A_119] : memref<992xf32, #tpu.memory_space<vmem>>[vector<16xi32>], vector<16xf32>,
        %parallel_loop3A_121 = arith.addi %parallel_loop3A_119, %parallel_loop3A_67 : vector<16xi32>
        tpu.vector_store_idx %arg7[%parallel_loop3A_121], %parallel_loop3A_120 : memref<65536xf32, #tpu.memory_space<vmem>>[vector<16xi32>], vector<16xf32>,
        %parallel_loop3A_122 = arith.constant 9 : i32
        %parallel_loop3A_123 = vector.broadcast %parallel_loop3A_122 : i32 to vector<16xi32>
        %parallel_loop3A_124 = arith.xori %iota3A, %parallel_loop3A_123 : vector<16xi32>
        %parallel_loop3A_125 = arith.addi %parallel_loop3A_59, %parallel_loop3A_124 : vector<16xi32>
        %parallel_loop3A_126 = tpu.vector_load_idx %arg5[%parallel_loop3A_125] : memref<992xf32, #tpu.memory_space<vmem>>[vector<16xi32>], vector<16xf32>,
        %parallel_loop3A_127 = arith.addi %parallel_loop3A_125, %parallel_loop3A_67 : vector<16xi32>
        tpu.vector_store_idx %arg7[%parallel_loop3A_127], %parallel_loop3A_126 : memref<65536xf32, #tpu.memory_space<vmem>>[vector<16xi32>], vector<16xf32>,
        %parallel_loop3A_128 = arith.constant 10 : i32
        %parallel_loop3A_129 = vector.broadcast %parallel_loop3A_128 : i32 to vector<16xi32>
        %parallel_loop3A_130 = arith.xori %iota3A, %parallel_loop3A_129 : vector<16xi32>
        %parallel_loop3A_131 = arith.addi %parallel_loop3A_59, %parallel_loop3A_130 : vector<16xi32>
        %parallel_loop3A_132 = tpu.vector_load_idx %arg5[%parallel_loop3A_131] : memref<992xf32, #tpu.memory_space<vmem>>[vector<16xi32>], vector<16xf32>,
        %parallel_loop3A_133 = arith.addi %parallel_loop3A_131, %parallel_loop3A_67 : vector<16xi32>
        tpu.vector_store_idx %arg7[%parallel_loop3A_133], %parallel_loop3A_132 : memref<65536xf32, #tpu.memory_space<vmem>>[vector<16xi32>], vector<16xf32>,
        %parallel_loop3A_134 = arith.constant 11 : i32
        %parallel_loop3A_135 = vector.broadcast %parallel_loop3A_134 : i32 to vector<16xi32>
        %parallel_loop3A_136 = arith.xori %iota3A, %parallel_loop3A_135 : vector<16xi32>
        %parallel_loop3A_137 = arith.addi %parallel_loop3A_59, %parallel_loop3A_136 : vector<16xi32>
        %parallel_loop3A_138 = tpu.vector_load_idx %arg5[%parallel_loop3A_137] : memref<992xf32, #tpu.memory_space<vmem>>[vector<16xi32>], vector<16xf32>,
        %parallel_loop3A_139 = arith.addi %parallel_loop3A_137, %parallel_loop3A_67 : vector<16xi32>
        tpu.vector_store_idx %arg7[%parallel_loop3A_139], %parallel_loop3A_138 : memref<65536xf32, #tpu.memory_space<vmem>>[vector<16xi32>], vector<16xf32>,
        %parallel_loop3A_140 = arith.constant 12 : i32
        %parallel_loop3A_141 = vector.broadcast %parallel_loop3A_140 : i32 to vector<16xi32>
        %parallel_loop3A_142 = arith.xori %iota3A, %parallel_loop3A_141 : vector<16xi32>
        %parallel_loop3A_143 = arith.addi %parallel_loop3A_59, %parallel_loop3A_142 : vector<16xi32>
        %parallel_loop3A_144 = tpu.vector_load_idx %arg5[%parallel_loop3A_143] : memref<992xf32, #tpu.memory_space<vmem>>[vector<16xi32>], vector<16xf32>,
        %parallel_loop3A_145 = arith.addi %parallel_loop3A_143, %parallel_loop3A_67 : vector<16xi32>
        tpu.vector_store_idx %arg7[%parallel_loop3A_145], %parallel_loop3A_144 : memref<65536xf32, #tpu.memory_space<vmem>>[vector<16xi32>], vector<16xf32>,
        %parallel_loop3A_146 = arith.constant 13 : i32
        %parallel_loop3A_147 = vector.broadcast %parallel_loop3A_146 : i32 to vector<16xi32>
        %parallel_loop3A_148 = arith.xori %iota3A, %parallel_loop3A_147 : vector<16xi32>
        %parallel_loop3A_149 = arith.addi %parallel_loop3A_59, %parallel_loop3A_148 : vector<16xi32>
        %parallel_loop3A_150 = tpu.vector_load_idx %arg5[%parallel_loop3A_149] : memref<992xf32, #tpu.memory_space<vmem>>[vector<16xi32>], vector<16xf32>,
        %parallel_loop3A_151 = arith.addi %parallel_loop3A_149, %parallel_loop3A_67 : vector<16xi32>
        tpu.vector_store_idx %arg7[%parallel_loop3A_151], %parallel_loop3A_150 : memref<65536xf32, #tpu.memory_space<vmem>>[vector<16xi32>], vector<16xf32>,
        %parallel_loop3A_152 = arith.constant 14 : i32
        %parallel_loop3A_153 = vector.broadcast %parallel_loop3A_152 : i32 to vector<16xi32>
        %parallel_loop3A_154 = arith.xori %iota3A, %parallel_loop3A_153 : vector<16xi32>
        %parallel_loop3A_155 = arith.addi %parallel_loop3A_59, %parallel_loop3A_154 : vector<16xi32>
        %parallel_loop3A_156 = tpu.vector_load_idx %arg5[%parallel_loop3A_155] : memref<992xf32, #tpu.memory_space<vmem>>[vector<16xi32>], vector<16xf32>,
        %parallel_loop3A_157 = arith.addi %parallel_loop3A_155, %parallel_loop3A_67 : vector<16xi32>
        tpu.vector_store_idx %arg7[%parallel_loop3A_157], %parallel_loop3A_156 : memref<65536xf32, #tpu.memory_space<vmem>>[vector<16xi32>], vector<16xf32>,
        %parallel_loop3A_158 = arith.constant 15 : i32
        %parallel_loop3A_159 = vector.broadcast %parallel_loop3A_158 : i32 to vector<16xi32>
        %parallel_loop3A_160 = arith.xori %iota3A, %parallel_loop3A_159 : vector<16xi32>
        %parallel_loop3A_161 = arith.addi %parallel_loop3A_59, %parallel_loop3A_160 : vector<16xi32>
        %parallel_loop3A_162 = tpu.vector_load_idx %arg5[%parallel_loop3A_161] : memref<992xf32, #tpu.memory_space<vmem>>[vector<16xi32>], vector<16xf32>,
        %parallel_loop3A_163 = arith.addi %parallel_loop3A_161, %parallel_loop3A_67 : vector<16xi32>
        tpu.vector_store_idx %arg7[%parallel_loop3A_163], %parallel_loop3A_162 : memref<65536xf32, #tpu.memory_space<vmem>>[vector<16xi32>], vector<16xf32>,
        %parallel_loop3A_164 = arith.constant 16 : i32
        %parallel_loop3A_165 = vector.broadcast %parallel_loop3A_164 : i32 to vector<16xi32>
        %parallel_loop3A_166 = arith.xori %iota3A, %parallel_loop3A_165 : vector<16xi32>
        %parallel_loop3A_167 = arith.addi %parallel_loop3A_59, %parallel_loop3A_166 : vector<16xi32>
        %parallel_loop3A_168 = tpu.vector_load_idx %arg5[%parallel_loop3A_167] : memref<992xf32, #tpu.memory_space<vmem>>[vector<16xi32>], vector<16xf32>,
        %parallel_loop3A_169 = arith.addi %parallel_loop3A_167, %parallel_loop3A_67 : vector<16xi32>
        tpu.vector_store_idx %arg7[%parallel_loop3A_169], %parallel_loop3A_168 : memref<65536xf32, #tpu.memory_space<vmem>>[vector<16xi32>], vector<16xf32>,
        %parallel_loop3A_170 = arith.constant 17 : i32
        %parallel_loop3A_171 = vector.broadcast %parallel_loop3A_170 : i32 to vector<16xi32>
        %parallel_loop3A_172 = arith.xori %iota3A, %parallel_loop3A_171 : vector<16xi32>
        %parallel_loop3A_173 = arith.addi %parallel_loop3A_59, %parallel_loop3A_172 : vector<16xi32>
        %parallel_loop3A_174 = tpu.vector_load_idx %arg5[%parallel_loop3A_173] : memref<992xf32, #tpu.memory_space<vmem>>[vector<16xi32>], vector<16xf32>,
        %parallel_loop3A_175 = arith.addi %parallel_loop3A_173, %parallel_loop3A_67 : vector<16xi32>
        tpu.vector_store_idx %arg7[%parallel_loop3A_175], %parallel_loop3A_174 : memref<65536xf32, #tpu.memory_space<vmem>>[vector<16xi32>], vector<16xf32>,
        %parallel_loop3A_176 = arith.constant 18 : i32
        %parallel_loop3A_177 = vector.broadcast %parallel_loop3A_176 : i32 to vector<16xi32>
        %parallel_loop3A_178 = arith.xori %iota3A, %parallel_loop3A_177 : vector<16xi32>
        %parallel_loop3A_179 = arith.addi %parallel_loop3A_59, %parallel_loop3A_178 : vector<16xi32>
        %parallel_loop3A_180 = tpu.vector_load_idx %arg5[%parallel_loop3A_179] : memref<992xf32, #tpu.memory_space<vmem>>[vector<16xi32>], vector<16xf32>,
        %parallel_loop3A_181 = arith.addi %parallel_loop3A_179, %parallel_loop3A_67 : vector<16xi32>
        tpu.vector_store_idx %arg7[%parallel_loop3A_181], %parallel_loop3A_180 : memref<65536xf32, #tpu.memory_space<vmem>>[vector<16xi32>], vector<16xf32>,
        %parallel_loop3A_182 = arith.constant 19 : i32
        %parallel_loop3A_183 = vector.broadcast %parallel_loop3A_182 : i32 to vector<16xi32>
        %parallel_loop3A_184 = arith.xori %iota3A, %parallel_loop3A_183 : vector<16xi32>
        %parallel_loop3A_185 = arith.addi %parallel_loop3A_59, %parallel_loop3A_184 : vector<16xi32>
        %parallel_loop3A_186 = tpu.vector_load_idx %arg5[%parallel_loop3A_185] : memref<992xf32, #tpu.memory_space<vmem>>[vector<16xi32>], vector<16xf32>,
        %parallel_loop3A_187 = arith.addi %parallel_loop3A_185, %parallel_loop3A_67 : vector<16xi32>
        tpu.vector_store_idx %arg7[%parallel_loop3A_187], %parallel_loop3A_186 : memref<65536xf32, #tpu.memory_space<vmem>>[vector<16xi32>], vector<16xf32>,
        %parallel_loop3A_188 = arith.constant 20 : i32
        %parallel_loop3A_189 = vector.broadcast %parallel_loop3A_188 : i32 to vector<16xi32>
        %parallel_loop3A_190 = arith.xori %iota3A, %parallel_loop3A_189 : vector<16xi32>
        %parallel_loop3A_191 = arith.addi %parallel_loop3A_59, %parallel_loop3A_190 : vector<16xi32>
        %parallel_loop3A_192 = tpu.vector_load_idx %arg5[%parallel_loop3A_191] : memref<992xf32, #tpu.memory_space<vmem>>[vector<16xi32>], vector<16xf32>,
        %parallel_loop3A_193 = arith.addi %parallel_loop3A_191, %parallel_loop3A_67 : vector<16xi32>
        tpu.vector_store_idx %arg7[%parallel_loop3A_193], %parallel_loop3A_192 : memref<65536xf32, #tpu.memory_space<vmem>>[vector<16xi32>], vector<16xf32>,
        %parallel_loop3A_194 = arith.constant 21 : i32
        %parallel_loop3A_195 = vector.broadcast %parallel_loop3A_194 : i32 to vector<16xi32>
        %parallel_loop3A_196 = arith.xori %iota3A, %parallel_loop3A_195 : vector<16xi32>
        %parallel_loop3A_197 = arith.addi %parallel_loop3A_59, %parallel_loop3A_196 : vector<16xi32>
        %parallel_loop3A_198 = tpu.vector_load_idx %arg5[%parallel_loop3A_197] : memref<992xf32, #tpu.memory_space<vmem>>[vector<16xi32>], vector<16xf32>,
        %parallel_loop3A_199 = arith.addi %parallel_loop3A_197, %parallel_loop3A_67 : vector<16xi32>
        tpu.vector_store_idx %arg7[%parallel_loop3A_199], %parallel_loop3A_198 : memref<65536xf32, #tpu.memory_space<vmem>>[vector<16xi32>], vector<16xf32>,
        %parallel_loop3A_200 = arith.constant 22 : i32
        %parallel_loop3A_201 = vector.broadcast %parallel_loop3A_200 : i32 to vector<16xi32>
        %parallel_loop3A_202 = arith.xori %iota3A, %parallel_loop3A_201 : vector<16xi32>
        %parallel_loop3A_203 = arith.addi %parallel_loop3A_59, %parallel_loop3A_202 : vector<16xi32>
        %parallel_loop3A_204 = tpu.vector_load_idx %arg5[%parallel_loop3A_203] : memref<992xf32, #tpu.memory_space<vmem>>[vector<16xi32>], vector<16xf32>,
        %parallel_loop3A_205 = arith.addi %parallel_loop3A_203, %parallel_loop3A_67 : vector<16xi32>
        tpu.vector_store_idx %arg7[%parallel_loop3A_205], %parallel_loop3A_204 : memref<65536xf32, #tpu.memory_space<vmem>>[vector<16xi32>], vector<16xf32>,
        %parallel_loop3A_206 = arith.constant 23 : i32
        %parallel_loop3A_207 = vector.broadcast %parallel_loop3A_206 : i32 to vector<16xi32>
        %parallel_loop3A_208 = arith.xori %iota3A, %parallel_loop3A_207 : vector<16xi32>
        %parallel_loop3A_209 = arith.addi %parallel_loop3A_59, %parallel_loop3A_208 : vector<16xi32>
        %parallel_loop3A_210 = tpu.vector_load_idx %arg5[%parallel_loop3A_209] : memref<992xf32, #tpu.memory_space<vmem>>[vector<16xi32>], vector<16xf32>,
        %parallel_loop3A_211 = arith.addi %parallel_loop3A_209, %parallel_loop3A_67 : vector<16xi32>
        tpu.vector_store_idx %arg7[%parallel_loop3A_211], %parallel_loop3A_210 : memref<65536xf32, #tpu.memory_space<vmem>>[vector<16xi32>], vector<16xf32>,
        %parallel_loop3A_212 = arith.constant 24 : i32
        %parallel_loop3A_213 = vector.broadcast %parallel_loop3A_212 : i32 to vector<16xi32>
        %parallel_loop3A_214 = arith.xori %iota3A, %parallel_loop3A_213 : vector<16xi32>
        %parallel_loop3A_215 = arith.addi %parallel_loop3A_59, %parallel_loop3A_214 : vector<16xi32>
        %parallel_loop3A_216 = tpu.vector_load_idx %arg5[%parallel_loop3A_215] : memref<992xf32, #tpu.memory_space<vmem>>[vector<16xi32>], vector<16xf32>,
        %parallel_loop3A_217 = arith.addi %parallel_loop3A_215, %parallel_loop3A_67 : vector<16xi32>
        tpu.vector_store_idx %arg7[%parallel_loop3A_217], %parallel_loop3A_216 : memref<65536xf32, #tpu.memory_space<vmem>>[vector<16xi32>], vector<16xf32>,
        %parallel_loop3A_218 = arith.constant 25 : i32
        %parallel_loop3A_219 = vector.broadcast %parallel_loop3A_218 : i32 to vector<16xi32>
        %parallel_loop3A_220 = arith.xori %iota3A, %parallel_loop3A_219 : vector<16xi32>
        %parallel_loop3A_221 = arith.addi %parallel_loop3A_59, %parallel_loop3A_220 : vector<16xi32>
        %parallel_loop3A_222 = tpu.vector_load_idx %arg5[%parallel_loop3A_221] : memref<992xf32, #tpu.memory_space<vmem>>[vector<16xi32>], vector<16xf32>,
        %parallel_loop3A_223 = arith.addi %parallel_loop3A_221, %parallel_loop3A_67 : vector<16xi32>
        tpu.vector_store_idx %arg7[%parallel_loop3A_223], %parallel_loop3A_222 : memref<65536xf32, #tpu.memory_space<vmem>>[vector<16xi32>], vector<16xf32>,
        %parallel_loop3A_224 = arith.constant 26 : i32
        %parallel_loop3A_225 = vector.broadcast %parallel_loop3A_224 : i32 to vector<16xi32>
        %parallel_loop3A_226 = arith.xori %iota3A, %parallel_loop3A_225 : vector<16xi32>
        %parallel_loop3A_227 = arith.addi %parallel_loop3A_59, %parallel_loop3A_226 : vector<16xi32>
        %parallel_loop3A_228 = tpu.vector_load_idx %arg5[%parallel_loop3A_227] : memref<992xf32, #tpu.memory_space<vmem>>[vector<16xi32>], vector<16xf32>,
        %parallel_loop3A_229 = arith.addi %parallel_loop3A_227, %parallel_loop3A_67 : vector<16xi32>
        tpu.vector_store_idx %arg7[%parallel_loop3A_229], %parallel_loop3A_228 : memref<65536xf32, #tpu.memory_space<vmem>>[vector<16xi32>], vector<16xf32>,
        %parallel_loop3A_230 = arith.constant 27 : i32
        %parallel_loop3A_231 = vector.broadcast %parallel_loop3A_230 : i32 to vector<16xi32>
        %parallel_loop3A_232 = arith.xori %iota3A, %parallel_loop3A_231 : vector<16xi32>
        %parallel_loop3A_233 = arith.addi %parallel_loop3A_59, %parallel_loop3A_232 : vector<16xi32>
        %parallel_loop3A_234 = tpu.vector_load_idx %arg5[%parallel_loop3A_233] : memref<992xf32, #tpu.memory_space<vmem>>[vector<16xi32>], vector<16xf32>,
        %parallel_loop3A_235 = arith.addi %parallel_loop3A_233, %parallel_loop3A_67 : vector<16xi32>
        tpu.vector_store_idx %arg7[%parallel_loop3A_235], %parallel_loop3A_234 : memref<65536xf32, #tpu.memory_space<vmem>>[vector<16xi32>], vector<16xf32>,
        %parallel_loop3A_236 = arith.constant 28 : i32
        %parallel_loop3A_237 = vector.broadcast %parallel_loop3A_236 : i32 to vector<16xi32>
        %parallel_loop3A_238 = arith.xori %iota3A, %parallel_loop3A_237 : vector<16xi32>
        %parallel_loop3A_239 = arith.addi %parallel_loop3A_59, %parallel_loop3A_238 : vector<16xi32>
        %parallel_loop3A_240 = tpu.vector_load_idx %arg5[%parallel_loop3A_239] : memref<992xf32, #tpu.memory_space<vmem>>[vector<16xi32>], vector<16xf32>,
        %parallel_loop3A_241 = arith.addi %parallel_loop3A_239, %parallel_loop3A_67 : vector<16xi32>
        tpu.vector_store_idx %arg7[%parallel_loop3A_241], %parallel_loop3A_240 : memref<65536xf32, #tpu.memory_space<vmem>>[vector<16xi32>], vector<16xf32>,
        %parallel_loop3A_242 = arith.constant 29 : i32
        %parallel_loop3A_243 = vector.broadcast %parallel_loop3A_242 : i32 to vector<16xi32>
        %parallel_loop3A_244 = arith.xori %iota3A, %parallel_loop3A_243 : vector<16xi32>
        %parallel_loop3A_245 = arith.addi %parallel_loop3A_59, %parallel_loop3A_244 : vector<16xi32>
        %parallel_loop3A_246 = tpu.vector_load_idx %arg5[%parallel_loop3A_245] : memref<992xf32, #tpu.memory_space<vmem>>[vector<16xi32>], vector<16xf32>,
        %parallel_loop3A_247 = arith.addi %parallel_loop3A_245, %parallel_loop3A_67 : vector<16xi32>
        tpu.vector_store_idx %arg7[%parallel_loop3A_247], %parallel_loop3A_246 : memref<65536xf32, #tpu.memory_space<vmem>>[vector<16xi32>], vector<16xf32>,
        %parallel_loop3A_248 = arith.constant 30 : i32
        %parallel_loop3A_249 = vector.broadcast %parallel_loop3A_248 : i32 to vector<16xi32>
        %parallel_loop3A_250 = arith.xori %iota3A, %parallel_loop3A_249 : vector<16xi32>
        %parallel_loop3A_251 = arith.addi %parallel_loop3A_59, %parallel_loop3A_250 : vector<16xi32>
        %parallel_loop3A_252 = tpu.vector_load_idx %arg5[%parallel_loop3A_251] : memref<992xf32, #tpu.memory_space<vmem>>[vector<16xi32>], vector<16xf32>,
        %parallel_loop3A_253 = arith.addi %parallel_loop3A_251, %parallel_loop3A_67 : vector<16xi32>
        tpu.vector_store_idx %arg7[%parallel_loop3A_253], %parallel_loop3A_252 : memref<65536xf32, #tpu.memory_space<vmem>>[vector<16xi32>], vector<16xf32>,
        %parallel_loop3A_254 = arith.constant 31 : i32
        %parallel_loop3A_255 = vector.broadcast %parallel_loop3A_254 : i32 to vector<16xi32>
        %parallel_loop3A_256 = arith.xori %iota3A, %parallel_loop3A_255 : vector<16xi32>
        %parallel_loop3A_257 = arith.addi %parallel_loop3A_59, %parallel_loop3A_256 : vector<16xi32>
        %parallel_loop3A_258 = tpu.vector_load_idx %arg5[%parallel_loop3A_257] : memref<992xf32, #tpu.memory_space<vmem>>[vector<16xi32>], vector<16xf32>,
        %parallel_loop3A_259 = arith.addi %parallel_loop3A_257, %parallel_loop3A_67 : vector<16xi32>
        tpu.vector_store_idx %arg7[%parallel_loop3A_259], %parallel_loop3A_258 : memref<65536xf32, #tpu.memory_space<vmem>>[vector<16xi32>], vector<16xf32>,
      } {sc.loop_unroll_factor = 2 : i64, sc.parallel_access}
      %mul3A_42 = arith.constant 32768 : i32
      %mul3A_43 = arith.muli %rem3A_34, %mul3A_42 : i32
      %mul3A_44 = arith.constant 32768 : i32
      %mul3A_45 = arith.muli %scan3A_33, %mul3A_44 : i32
      %add3A_46 = arith.addi %mul3A_4, %mul3A_45 : i32
      %dma_start3A = tpu.memref_slice %arg7[%mul3A_43] : memref<65536xf32, #tpu.memory_space<vmem>> -> memref<32768xf32, #tpu.memory_space<vmem>>
      %dma_start3A_47 = tpu.memref_slice %arg4[%add3A_46] : memref<104857600xf32, #tpu.memory_space<hbm>> -> memref<32768xf32, #tpu.memory_space<hbm>>
      %dma_start3A_48 = tpu.memref_slice %arg8[%rem3A_34] : memref<2x!tpu.dma_semaphore, #tpu.memory_space<semaphore_mem>> -> memref<1x!tpu.dma_semaphore, #tpu.memory_space<semaphore_mem>>
      %dma_start3A_49 = tpu.memref_squeeze %dma_start3A_48 : memref<1x!tpu.dma_semaphore, #tpu.memory_space<semaphore_mem>> -> memref<!tpu.dma_semaphore, #tpu.memory_space<semaphore_mem>>
      %dma_start3A_50 = tpu.memref_slice %arg4[%add3A_46] : memref<104857600xf32, #tpu.memory_space<hbm>> -> memref<32768xf32, #tpu.memory_space<hbm>>
      %dma_start3A_51 = tpu.memref_slice %arg7[%mul3A_43] : memref<65536xf32, #tpu.memory_space<vmem>> -> memref<32768xf32, #tpu.memory_space<vmem>>
      tpu.enqueue_dma source(%dma_start3A_51 : memref<32768xf32, #tpu.memory_space<vmem>>) target(%dma_start3A_50 : memref<32768xf32, #tpu.memory_space<hbm>>) target_semaphore(%dma_start3A_49 : memref<!tpu.dma_semaphore, #tpu.memory_space<semaphore_mem>>)
    }
    %scan3A_11 = arith.constant 100 : i32
    %dma_wait3A = arith.constant 0 : i32
    %dma_wait3A_12 = arith.constant 0 : i32
    %dma_wait3A_13 = tpu.memref_slice %arg7[%dma_wait3A_12] : memref<65536xf32, #tpu.memory_space<vmem>> -> memref<32768xf32, #tpu.memory_space<vmem>>
    %dma_wait3A_14 = arith.constant 0 : i32
    %dma_wait3A_15 = tpu.memref_slice %arg4[%dma_wait3A_14] : memref<104857600xf32, #tpu.memory_space<hbm>> -> memref<32768xf32, #tpu.memory_space<hbm>>
    %dma_wait3A_16 = tpu.memref_slice %arg8[%dma_wait3A] : memref<2x!tpu.dma_semaphore, #tpu.memory_space<semaphore_mem>> -> memref<1x!tpu.dma_semaphore, #tpu.memory_space<semaphore_mem>>
    %dma_wait3A_17 = tpu.memref_squeeze %dma_wait3A_16 : memref<1x!tpu.dma_semaphore, #tpu.memory_space<semaphore_mem>> -> memref<!tpu.dma_semaphore, #tpu.memory_space<semaphore_mem>>
    %dma_wait3A_18 = arith.constant 0 : i32
    %dma_wait3A_19 = tpu.memref_slice %arg4[%dma_wait3A_18] : memref<104857600xf32, #tpu.memory_space<hbm>> -> memref<32768xf32, #tpu.memory_space<hbm>>
    %dma_wait3A_20 = arith.constant 0 : i32
    %dma_wait3A_21 = tpu.memref_slice %arg7[%dma_wait3A_20] : memref<65536xf32, #tpu.memory_space<vmem>> -> memref<32768xf32, #tpu.memory_space<vmem>>
    tpu.wait_dma2 semaphore(%dma_wait3A_17 : memref<!tpu.dma_semaphore, #tpu.memory_space<semaphore_mem>>) src(%dma_wait3A_21 : memref<32768xf32, #tpu.memory_space<vmem>>) dst(%dma_wait3A_19 : memref<32768xf32, #tpu.memory_space<hbm>>)
    %dma_wait3A_22 = arith.constant 1 : i32
    %dma_wait3A_23 = arith.constant 32768 : i32
    %dma_wait3A_24 = tpu.memref_slice %arg7[%dma_wait3A_23] : memref<65536xf32, #tpu.memory_space<vmem>> -> memref<32768xf32, #tpu.memory_space<vmem>>
    %dma_wait3A_25 = arith.constant 0 : i32
    %dma_wait3A_26 = tpu.memref_slice %arg4[%dma_wait3A_25] : memref<104857600xf32, #tpu.memory_space<hbm>> -> memref<32768xf32, #tpu.memory_space<hbm>>
    %dma_wait3A_27 = tpu.memref_slice %arg8[%dma_wait3A_22] : memref<2x!tpu.dma_semaphore, #tpu.memory_space<semaphore_mem>> -> memref<1x!tpu.dma_semaphore, #tpu.memory_space<semaphore_mem>>
    %dma_wait3A_28 = tpu.memref_squeeze %dma_wait3A_27 : memref<1x!tpu.dma_semaphore, #tpu.memory_space<semaphore_mem>> -> memref<!tpu.dma_semaphore, #tpu.memory_space<semaphore_mem>>
    %dma_wait3A_29 = arith.constant 0 : i32
    %dma_wait3A_30 = tpu.memref_slice %arg4[%dma_wait3A_29] : memref<104857600xf32, #tpu.memory_space<hbm>> -> memref<32768xf32, #tpu.memory_space<hbm>>
    %dma_wait3A_31 = arith.constant 32768 : i32
    %dma_wait3A_32 = tpu.memref_slice %arg7[%dma_wait3A_31] : memref<65536xf32, #tpu.memory_space<vmem>> -> memref<32768xf32, #tpu.memory_space<vmem>>
    tpu.wait_dma2 semaphore(%dma_wait3A_28 : memref<!tpu.dma_semaphore, #tpu.memory_space<semaphore_mem>>) src(%dma_wait3A_32 : memref<32768xf32, #tpu.memory_space<vmem>>) dst(%dma_wait3A_30 : memref<32768xf32, #tpu.memory_space<hbm>>)
    return
  }
}

</mosaic_0001>

<sc_bundles>
// kernel: kernel.3.cloned.1.call-start
scs
__scs_entry_jumppad:
0x0: {  	(pc) =	sbr.rel $0x88, $3  }
0x1: {  	(tag) =	ssettag $0x0;
	lr =	simm.s32 $0x1  }
0x2: {  	[smem:$0x3F9F] =	sst lr;
	_ =	strace $0xD0000000  }
0x3: {  	_ = 	snop  }
0x4: {  	_ = 	snop  }
0x5: {  	_ = 	snop  }
0x6: {  	_ = 	snop  }
0x7: {  	_ = 	snop  }
__scs_overlays_trampoline_lowered:
0x8: {  	[smem:$0x3FAE] =	sst s0  }
0x9: {  	[smem:$0x3FAF] =	sst s1  }
0xa: {  	[smem:$0x3FB0] =	sst s2  }
0xb: {  	[smem:$0x3FB1] =	sst s3  }
0xc: {  	[smem:$0x3FB2] =	sst s4  }
0xd: {  	[smem:$0x3FB3] =	sst s5  }
0xe: {  	[smem:$0x3FB4] =	sst s6  }
0xf: {  	[smem:$0x3FB5] =	sst s7  }
0x10: {  	[smem:$0x3FB6] =	sst s8  }
0x11: {  	[smem:$0x3FB7] =	sst s9;
	s0 =	simm.s32 @!p0 $0x0  }
0x12: {  	s1 =	sld [smem:$0x3F9D];
	s0 =	simm.s32 @p0 $0x1  }
0x13: {  	[smem:$0x3FB8] =	sst s0;
	s0 =	simm.s32 @!p1 $0x0  }
0x14: {  	s2 =	sld [smem:$0x3F9C];
	s0 =	simm.s32 @p1 $0x1  }
0x15: {  	[smem:$0x3FB9] =	sst s0;
	s0 =	simm.s32 @!p2 $0x0  }
0x16: {  	s3 =	sld [smem:$0x3FDB];
	s0 =	simm.s32 @p2 $0x1  }
0x17: {  	s4 =	simm.s32 $0x1BF5;
	[smem:$0x3FBB] =	sst s0  }
0x18: {  	s0 =	sld [smem:$0x3F9E];
	_ =	swait.ge [sflag:s4], $0x0  }
0x19: {  	s7 =	sld [smem:$0x3F9F]  }
0x1a: {  	s8 =	sadd.s32 $0xFFFFE003, lr  }
0x1b: {  	s9 =	sadd.s32 $0xFFFFFEF7, lr;
	s5 =	simm.s32 $0xFFFFFFFF;
	p2 =	slt.u32 s8, $0xFFFFF086  }
0x1c: {  	p1 =	slt.u32 s9, $0xF7A;
	s5 =	simm.s32 @!p2 $0x0  }
0x1d: {  	s5 =	simm.s32 @p1 $0x1;
	p0 =	seq.s32 s7, s2  }
0x1e: {  	s7 =	smul.u32 @!p0 $0xF7A, s2;
	p2 =	seq.s32 @!p0 s5, $0x0  }
0x1f: {  	s9 =	smul.u32 $0xF7A, s1;
	s8 =	simm.s32 @!p0 $0x1BF5;
	p2 =	por !p2, p0  }
0x20: {  	[sflag:s8] =	ssyncset.s32 @!p0 $0xFFFFF086;
	s6 =	sadd.s32 @!p0 s3, s7;
	s7 =	simm.s32 @!p0 $0x108  }
0x21: {  	s3 =	sadd.s32 s3, s9;
	s6 =	sadd.s32 @!p0 $0x88, s6;
	s7 =	simm.s32 @p2 $0x1082  }
0x22: {  	[simem:s7], [sflag:s8] =	dma.local @!p0 [hbm:s6], $0xF7A  }
0x23: {  	s9 =	sor.u32 $0xD0000000, s2;
	s6 =	simm.s32 $0x108;
	_ =	swait.ge @!p0 [sflag:s8], $0x0  }
0x24: {  	s3 =	sadd.s32 $0x88, s3;
	s6 =	simm.s32 @!p1 $0x1082;
	[sflag:s4] =	ssyncset.s32 $0xFFFFF086  }
0x25: {  	[simem:s6], [sflag:s4] =	dma.local [hbm:s3], $0xF7A  }
0x26: {  	[smem:$0x3F9F] =	sst s1;
	(tag) =	ssettag s2;
	_ =	strace s9  }
0x27: {  	s1 =	sld [smem:$0x3FAF]  }
0x28: {  	s2 =	sld [smem:$0x3FB0]  }
0x29: {  	s4 =	sld [smem:$0x3FB2]  }
0x2a: {  	p0 =	seq.s32 s5, $0x0;
	s5 =	sld [smem:$0x3FB3]  }
0x2b: {  	s6 =	sld [smem:$0x3FB4]  }
0x2c: {  	s7 =	sld [smem:$0x3FB5]  }
0x2d: {  	s3 =	simm.s32 $0x108;
	s8 =	sld [smem:$0x3FB6]  }
0x2e: {  	s3 =	simm.s32 @!p0 $0x1082;
	s9 =	sld [smem:$0x3FB7]  }
0x2f: {  	lr =	sadd.s32 s0, s3;
	s0 =	sld [smem:$0x3FAE]  }
0x30: {  	s3 =	sld [smem:$0x3FB1]  }
0x31: {  	[smem:$0x3FBA] =	sst s10  }
0x32: {  	s10 =	sld [smem:$0x3FB8];
	_ =	sdelay $0x3  }
0x33: {  	p0 =	seq.s32 s10, $0x1;
	s10 =	sld [smem:$0x3FBA];
	_ =	sdelay $0x3  }
0x34: {  	[smem:$0x3FBA] =	sst s10  }
0x35: {  	s10 =	sld [smem:$0x3FB9];
	_ =	sdelay $0x3  }
0x36: {  	p1 =	seq.s32 s10, $0x1;
	s10 =	sld [smem:$0x3FBA];
	_ =	sdelay $0x3  }
0x37: {  	[smem:$0x3FBA] =	sst s10  }
0x38: {  	s10 =	sld [smem:$0x3FBB]  }
0x39: {  	_ = 	snop;
	(pc) =	sbr.ind lr, $3  }
0x3a: {  	_ = 	snop  }
0x3b: {  	_ = 	snop  }
0x3c: {  	p2 =	seq.s32 s10, $0x1;
	s10 =	sld [smem:$0x3FBA]  }
0x3d: {  	_ =	shalt  }
0x3e: {  	_ =	shalt  }
0x3f: {  	_ =	shalt  }
0x40: {  	_ =	shalt  }
0x41: {  	_ =	shalt  }
0x42: {  	_ =	shalt  }
0x43: {  	_ =	shalt  }
0x44: {  	_ =	shalt  }
0x45: {  	_ =	shalt  }
0x46: {  	_ =	shalt  }
0x47: {  	_ =	shalt  }
0x48: {  	_ =	shalt  }
0x49: {  	_ =	shalt  }
0x4a: {  	_ =	shalt  }
0x4b: {  	_ =	shalt  }
0x4c: {  	_ =	shalt  }
0x4d: {  	_ =	shalt  }
0x4e: {  	_ =	shalt  }
0x4f: {  	_ =	shalt  }
0x50: {  	_ =	shalt  }
0x51: {  	_ =	shalt  }
0x52: {  	_ =	shalt  }
0x53: {  	_ =	shalt  }
0x54: {  	_ =	shalt  }
0x55: {  	_ =	shalt  }
0x56: {  	_ =	shalt  }
0x57: {  	_ =	shalt  }
0x58: {  	_ =	shalt  }
0x59: {  	_ =	shalt  }
0x5a: {  	_ =	shalt  }
0x5b: {  	_ =	shalt  }
0x5c: {  	_ =	shalt  }
0x5d: {  	_ =	shalt  }
0x5e: {  	_ =	shalt  }
0x5f: {  	_ =	shalt  }
0x60: {  	_ =	shalt  }
0x61: {  	_ =	shalt  }
0x62: {  	_ =	shalt  }
0x63: {  	_ =	shalt  }
0x64: {  	_ =	shalt  }
0x65: {  	_ =	shalt  }
0x66: {  	_ =	shalt  }
0x67: {  	_ =	shalt  }
0x68: {  	_ =	shalt  }
0x69: {  	_ =	shalt  }
0x6a: {  	_ =	shalt  }
0x6b: {  	_ =	shalt  }
0x6c: {  	_ =	shalt  }
0x6d: {  	_ =	shalt  }
0x6e: {  	_ =	shalt  }
0x6f: {  	_ =	shalt  }
0x70: {  	_ =	shalt  }
0x71: {  	_ =	shalt  }
0x72: {  	_ =	shalt  }
0x73: {  	_ =	shalt  }
0x74: {  	_ =	shalt  }
0x75: {  	_ =	shalt  }
0x76: {  	_ =	shalt  }
0x77: {  	_ =	shalt  }
0x78: {  	_ =	shalt  }
0x79: {  	_ =	shalt  }
0x7a: {  	_ =	shalt  }
0x7b: {  	_ =	shalt  }
0x7c: {  	_ =	shalt  }
0x7d: {  	_ =	shalt  }
0x7e: {  	_ =	shalt  }
0x7f: {  	_ =	shalt  }
0x80: {  	_ =	shalt  }
0x81: {  	_ =	shalt  }
0x82: {  	_ =	shalt  }
0x83: {  	_ =	shalt  }
0x84: {  	_ =	shalt  }
0x85: {  	_ =	shalt  }
0x86: {  	_ =	shalt  }
0x87: {  	_ =	shalt  }
.Lfunc_end0:
.L_simem_size_0:
called_computation.1_lowered:
.L_overlay_start_0:
0x88: {  	s2 =	sld [smem:$0x3FD9]  }
0x89: {  	s3 =	sld [smem:$0x3FFE];
	_ =	sdelay $0x1  }
0x8a: {  	s1 =	srdreg.scid  }
0x8b: {  	s0 =	sand.u32 $0x1, s1  }
0x8c: {  	s17 =	sshll.u32 s0, $0xA;
	s2 =	sadd.s32 s3, s2  }
0x8d: {  	s2 =	sadd.s32 s2, s17  }
0x8e: {  	[smem:$0x3FC6] =	sst s2  }
0x8f: {  	_ = 	snop  }
0x90: {  	s2 =	sld [smem:$0x3FD0];
	(tm) =	ssettm $0x1  }
0x91: {  	s18 =	sld [smem:$0x3FFB];
	_ =	sdelay $0x3  }
0x92: {  	_ =	strace s18  }
0x93: {  	s3 =	sld [smem:$0x3FFC];
	_ =	sdelay $0x3  }
0x94: {  	_ =	strace s3  }
0x95: {  	s3 =	sld [smem:$0x3FFD];
	_ =	sdelay $0x3  }
0x96: {  	_ =	strace s3  }
0x97: {  	_ =	strace $0x8FFFFFFF  }
0x98: {  	s19 =	sld [smem:$0x3FDB];
	_ =	sdelay $0x1  }
0x99: {  	s4 =	simm.s32 $_scs_section_size  }
0x9a: {  	s5 =	simm.s32 $_size__tile_overlayer_lowered;
	s6 =	simm.s32 $_tile_overlayer_lowered  }
0x9b: {  	s22 =	simm.s32 $0x1BFF;
	s21 =	sshll.u32 s6, $0x1;
	s3 =	sadd.s32 s4, s19  }
0x9c: {  	s7 =	simm.s32 $0x0;
	s20 =	sshll.u32 s5, $0x1;
	s5 =	sadd.s32 s21, s3  }
0x9d: {  	[timem:s7], [sflag:s22] =	dma.local [hbm:s5], s20  }
0x9e: {  	_ =	swait.ge [sflag:s22], s20  }
0x9f: {  	s4 =	ssub.s32 $0x0, s20;
	[sflag:s22] =	ssyncset.done $0x0  }
0xa0: {  	[sflag:s22] =	ssyncadd.s32 s4;
	_ =	sdelay $0x1  }
0xa1: {  	s23 =	simm.s32 $0x1B8B  }
0xa2: {  	_ =	swait.ge [sflag:s23], $0x1  }
0xa3: {  	[sflag:s23] =	ssyncset.done $0x0  }
0xa4: {  	s25 =	simm.s32 $0x1B8E;
	s24 =	sld [smem:$0x3FFE];
	[sflag:s23] =	ssyncadd.s32 $0xFFFFFFFF  }
0xa5: {  	s26 =	simm.s32 $execute0_lowered;
	[smem:$0x3FD2] =	sst s25  }
0xa6: {  	s5 =	sshll.u32 s26, $0x1;
	_ =	strace $0x80000046;
	[dreg:$0x1] =	wrdreg $0xFFFFFFFF  }
0xa7: {  	s28 =	simm.s32 $_size_execute0_lowered;
	s3 =	sadd.s32 s3, s5;
	[dreg:$0x0] =	wrdreg $0x0  }
0xa8: {  	s5 =	sshll.u32 s28, $0x1;
	[dreg:$0x2] =	wrdreg s3  }
0xa9: {  	[dreg:$0x3] =	wrdreg s5  }
0xaa: {  	[dreg:$0x4] =	wrdreg $0xC0  }
0xab: {  	_ =	task [dreg:s7], $0x5FFFF  }
0xac: {  	[dreg:$0x1] =	wrdreg $0xFFFFFFFF  }
0xad: {  	[dreg:$0x0] =	wrdreg $0x60  }
0xae: {  	[dreg:$0x2] =	wrdreg s24  }
0xaf: {  	[dreg:$0x3] =	wrdreg s2  }
0xb0: {  	[dreg:$0x4] =	wrdreg $0x9  }
0xb1: {  	_ =	task.clear_ibuf [dreg:s7], $0x5FFFF;
	_ =	strace $0x90000046  }
0xb2: {  	s29 =	simm.s32 $0x9;
	_ =	strace $0x80000048  }
0xb3: {  	_ =	swait.ge [sflag:s29], $0x1  }
0xb4: {  	[sflag:s29] =	ssyncadd.s32 $0xFFFFFFFF  }
0xb5: {  	_ =	strace $0x90000048  }
0xb6: {  	_ =	sfence  }
0xb7: {  	s30 =	sld [smem:$0x0];
	_ =	sdelay $0x2  }
0xb8: {  	s31 =	sshll.u32 s1, $0xD;
	s1 =	sshrl.u32 s1, $0x2  }
0xb9: {  	s3 =	sand.u32 $0x4000, s31;
	s1 =	sadd.s32 s1, s30  }
0xba: {  	s0 =	sor.u32 s3, s0;
	s1 =	sshll.u32 s1, $0x11  }
0xbb: {  	s0 =	sor.u32 s1, s0  }
0xbc: {  	s0 =	sadd.s32 $0x8F2B, s0  }
0xbd: {  	[sflag:s0] =	ssyncadd.remote.s32 $0x1  }
0xbe: {  	_ =	sfence.sel $0xFFFF  }
0xbf: {  	[dreg:$0x0] =	wrdreg $0xFFFFFFFF;
	(pc) =	sbr.abs _section_cstart, $3  }
0xc0: {  	[dreg:$0x1] =	wrdreg $0xFFFFFFFF  }
0xc1: {  	_ =	task.clear_ibuf [dreg:s7], $0x2FFFF;
	_ =	strace $0x9FFFFFFF  }
0xc2: {  	(tm) =	ssettm $0x7FFFFFFF  }
0xc3: {  	_ =	shalt  }
tec
execute0_lowered:
.L_overlay_start_1:
0x0: {  	(tag) =	ssettag $0x1  }
0x1: {  	v18 =	vlaneseq.u32  }
0x2: {  	v0 =	vimm.s32 $0xEFCDAB89;
	v1 =	vimm.s32 $0x67452301;
	v2 =	vimm.s32 $0xDCFE98BA  }
0x3: {  	v3 =	vimm.s32 $0x54761032;
	v4 =	vimm.s32 $0xCDEF89AB;
	v5 =	vimm.s32 $0x45670123  }
0x4: {  	v6 =	vimm.s32 $0xBA98FEDC;
	v7 =	vimm.s32 $0x32107654;
	v11 =	vimm.s32 $0x23016745  }
0x5: {  	v12 =	vimm.s32 $0x98BADCFE;
	v13 =	vimm.s32 $0x10325476;
	v36 =	vimm.s32 $0x1A1B1819  }
0x6: {  	v37 =	vimm.s32 $0x1E1F1C1D;
	v38 =	vimm.s32 $0x12131011;
	v39 =	vimm.s32 $0x16171415  }
0x7: {  	vm0 =	vcmask $0x1F10;
	v40 =	vimm.s32 $0x19181B1A;
	v41 =	vimm.s32 $0x1D1C1F1E  }
0x8: {  	v0 =	vunpack.c.l.s4.s8 v0;
	v1 =	vunpack.c.l.s4.s8 v1;
	v2 =	vunpack.c.l.s4.s8 v2  }
0x9: {  	v3 =	vunpack.c.l.s4.s8 v3;
	v4 =	vunpack.c.l.s4.s8 v4;
	v5 =	vunpack.c.l.s4.s8 v5  }
0xa: {  	v6 =	vunpack.c.l.s4.s8 v6;
	v7 =	vunpack.c.l.s4.s8 v7;
	v11 =	vunpack.c.l.s4.s8 v11  }
0xb: {  	v60 =	vunpack.c.l.s4.s8 v13;
	v0 =	vunpack.c.0.s8.s32 v0;
	v1 =	vunpack.c.0.s8.s32 v1  }
0xc: {  	v34 =	vmul.u32 $0xFFFFFFFF, v18;
	v2 =	vunpack.c.0.s8.s32 v2;
	v3 =	vunpack.c.0.s8.s32 v3  }
0xd: {  	v6 =	vunpack.c.0.s8.s32 v6;
	v7 =	vunpack.c.0.s8.s32 v7;
	v8 =	vcombine.low v1, v0  }
0xe: {  	v4 =	vunpack.c.0.s8.s32 v4;
	v5 =	vunpack.c.0.s8.s32 v5;
	v9 =	vcombine.low v3, v2  }
0xf: {  	v10 =	vcombine.low v7, v6;
	v0 =	vand.u32 $0xF, v0;
	v20 =	vand.u32 $0xF, v8  }
0x10: {  	v59 =	vand.u32 $0xF, v9;
	v8 =	vcombine.low v5, v4;
	v9 =	vimm.s32 $0xAB89EFCD  }
0x11: {  	v24 =	vand.u32 $0xF, v4;
	v25 =	vand.u32 $0xF, v6;
	v9 =	vunpack.c.l.s4.s8 v9  }
0x12: {  	v6 =	vimm.s32 $0x11101312;
	v21 =	vand.u32 $0xF, v8;
	v8 =	vunpack.c.l.s4.s8 v12  }
0x13: {  	v0 =	vcombine.low v0, v1;
	v32 =	vand.u32 $0xF, v10;
	v9 =	vunpack.c.0.s8.s32 v9  }
0x14: {  	v10 =	vunpack.c.0.s8.s32 v11;
	v11 =	vunpack.c.0.s8.s32 v60;
	v8 =	vunpack.c.0.s8.s32 v8  }
0x15: {  	v28 =	vcombine.low v24, v5;
	v58 =	vcombine.low v25, v7;
	v26 =	vand.u32 $0xF, v9  }
0x16: {  	v1 =	vunpack.c.0.s8.s32 v37;
	[tilespmem:$0x1FE50] =	vst v0;
	v17 =	vcombine.low v11, v8;
	v0 =	vcombine.low v26, v10  }
0x17: {  	v7 =	vimm.s32 $0x15141716;
	v6 =	vunpack.c.0.s8.s32 v6;
	v4 =	vunpack.c.0.s8.s32 v40  }
0x18: {  	v63 =	vand.u32 $0xF, v17;
	v17 =	vand.u32 $0xF, v2;
	[tilespmem:$0x1FE60] =	vst v0;
	v0 =	vunpack.c.0.s8.s32 v36  }
0x19: {  	[tilespmem:$0x1FE70] =	vst v34;
	v2 =	vunpack.c.0.s8.s32 v38;
	v57 =	vcombine.low v17, v3;
	v3 =	vunpack.c.0.s8.s32 v39  }
0x1a: {  	s6 =	rddreg [dreg:$0x0];
	v5 =	vunpack.c.0.s8.s32 v41;
	v33 =	vand.u32 $0xF, v8;
	[tilespmem:$0x1FE40] =	vst v63;
	v8 =	vsel vm0, v1, v0  }
0x1b: {  	s0 =	rddreg [dreg:$0x1];
	s1 =	simm.s32 $0x0;
	v7 =	vunpack.c.0.s8.s32 v7;
	v16 =	vcombine.low v10, v9;
	v9 =	vsel vm0, v3, v2;
	[tilespmem:$0x1FE80] =	vst v8  }
0x1c: {  	s3 =	srdreg.scid;
	[smem:$0x7FF] =	sst s1;
	v10 =	vimm.s32 $0x1F1E1D1C;
	v60 =	vcombine.low v33, v11;
	v11 =	vsel vm0, v5, v4;
	[tilespmem:$0x1FE90] =	vst v9  }
0x1d: {  	s4 =	sand.u32 $0x1, s3;
	s3 =	rddreg [dreg:$0x2];
	v42 =	vsel vm0, v7, v6;
	v19 =	vunpack.c.0.s8.s32 v10;
	v10 =	vimm.s32 $0x13121110;
	_ =	strace $0x80000047;
	[tilespmem:$0x1FEA0] =	vst v11  }
0x1e: {  	v10 =	vunpack.c.0.s8.s32 v10;
	[tilespmem:$0x1FEB0] =	vst v42  }
0x1f: {  	[tilespmem:$0x1FF20] =	vst v19  }
0x20: {  	v0 =	vsel vm0, v0, v1;
	[tilespmem:$0x1FF50] =	vst v10  }
0x21: {  	v53 =	vsel vm0, v2, v3;
	[tilespmem:$0x1FF80] =	vst v0  }
0x22: {  	v56 =	vsel vm0, v4, v5;
	[tilespmem:$0x1FF90] =	vst v53  }
0x23: {  	v63 =	vsel vm0, v6, v7;
	[tilespmem:$0x1FFA0] =	vst v56  }
0x24: {  	[tilespmem:$0x1FFB0] =	vst v63  }
0x25: {  	v46 =	vcombine.low v9, v8;
	v8 =	vimm.s32 $0x18191A1B;
	v30 =	vcombine.low v53, v0;
	[tilespmem:$0x1FFD0] =	vst v20  }
0x26: {  	v9 =	vimm.s32 $0x1C1D1E1F;
	v43 =	vunpack.c.0.s8.s32 v8;
	[tilespmem:$0x1FFE0] =	vst v28  }
0x27: {  	v61 =	vimm.s32 $0x89ABCDEF;
	v48 =	vunpack.c.0.s8.s32 v9;
	v8 =	vimm.s32 $0x10111213;
	[tilespmem:$0x1FFC0] =	vst v30  }
0x28: {  	v62 =	vimm.s32 $0x1234567;
	v9 =	vimm.s32 $0x14151617;
	v49 =	vunpack.c.0.s8.s32 v8;
	[tilespmem:$0x1FEC0] =	vst v43  }
0x29: {  	v14 =	vimm.s32 $0xFEDCBA98;
	v15 =	vimm.s32 $0x76543210;
	v50 =	vunpack.c.0.s8.s32 v9;
	[tilespmem:$0x1FED0] =	vst v48  }
0x2a: {  	v54 =	vmul.u32 $0x20, v18;
	v13 =	vunpack.c.l.s4.s8 v62;
	v12 =	vunpack.c.l.s4.s8 v61;
	[tilespmem:$0x1FEE0] =	vst v49  }
0x2b: {  	v47 =	vcombine.low v42, v11;
	v8 =	vimm.s32 $0x1B1A1918;
	v11 =	vsel vm0, v48, v43;
	[tilespmem:$0x1FEF0] =	vst v50  }
0x2c: {  	v9 =	vimm.s32 $0x17161514;
	v8 =	vunpack.c.0.s8.s32 v8;
	v51 =	vsel vm0, v50, v49;
	[tilespmem:$0x1FF00] =	vst v11  }
0x2d: {  	s2 =	stileid.u32;
	s9 =	simm.s32 $0x3;
	v14 =	vunpack.c.l.s4.s8 v14;
	v15 =	vunpack.c.l.s4.s8 v15;
	v9 =	vunpack.c.0.s8.s32 v9;
	[tilespmem:$0x1FF10] =	vst v51  }
0x2e: {  	s10 =	simm.s32 $0x1;
	s11 =	simm.s32 $0x400;
	s12 =	simm.s32 $0x800;
	v62 =	vor.u32 $0x10, v18;
	v13 =	vunpack.c.0.s8.s32 v13;
	v12 =	vunpack.c.0.s8.s32 v12;
	[tilespmem:$0x1FF30] =	vst v8  }
0x2f: {  	s13 =	simm.s32 $0x2;
	s7 =	sshll.u32 s2, $0x1;
	s5 =	ssub.s32 $0x2, s4;
	v14 =	vunpack.c.0.s8.s32 v14;
	v8 =	vsel vm0, v8, v19;
	[tilespmem:$0x1FF40] =	vst v9;
	v9 =	vsel vm0, v10, v9  }
0x30: {  	s14 =	simm.s32 $0x0;
	s7 =	sor.u32 s4, s7;
	v15 =	vunpack.c.0.s8.s32 v15;
	s8 =	sshrl.u32 s5, $0x1;
	v12 =	vcombine.low v13, v12;
	[tilespmem:$0x1FF60] =	vst v8;
	v8 =	vcombine.low v9, v8  }
0x31: {  	s4 =	sadd.s32 $0xA00, s6;
	s8 =	ssub.s32 s5, s8;
	s5 =	smul.u32 $0x19000, s7;
	v61 =	vadd.s32 $0xF, v34;
	v35 =	vand.u32 $0xF, v16;
	v16 =	vand.u32 $0xF, v14;
	[tilespmem:$0x1FF70] =	vst v9  }
0x32: {  	s6 =	sadd.s32 $0x800, s6;
	s7 =	smul.u32 $0x320000, s7;
	s8 =	smax.u32 s8, $0x1;
	v55 =	vcombine.low v16, v15;
	v52 =	vand.u32 $0xF, v12;
	v45 =	vcombine.low v51, v11;
	[tilespmem:$0x1FFF0] =	vst v8  }
.LBB2_1:
0x33: {  	[tilespmem:s1], [sflag:$0x3] =	stream.linear.gather [hbm4b:s6+s1], $0x400, $0x38;
	[tilespmem:$0x10800] =	vst v63  }
0x34: {  	_ =	swait.ge [sflag:s9], $0x400  }
0x35: {  	[sflag:s9] =	ssyncset.done $0x0  }
0x36: {  	p0 =	por $0x0, $0x0;
	s15 =	simm.s32 $0x0;
	[sflag:s9] =	ssyncadd.s32 $0xFFFFFC00  }
.LBB2_2:
0x37: {  	s16 =	sshll.u32 s15, $0xA  }
0x38: {  	s16 =	sadd.s32 s5, s16  }
0x39: {  	s16 =	sshrl.u32 s16, $0x3  }
0x3a: {  	s16 =	sadd.s32 s4, s16  }
0x3b: {  	[tilespmem:s11], [sflag:$0x3] =	stream.linear.gather [hbm4b:s16+s1], $0x400, $0x38;
	[tilespmem:$0x10800] =	vst v63  }
0x3c: {  	_ =	swait.ge [sflag:s9], $0x400  }
0x3d: {  	p1 =	slt.u32 s15, $0x2;
	s16 =	sand.u32 $0x1, s15;
	[sflag:s9] =	ssyncset.done $0x0  }
0x3e: {  	s17 =	sadd.s32 @!p1 $0x1, s16;
	[sflag:s9] =	ssyncadd.s32 $0xFFFFFC00  }
0x3f: {  	_ =	swait.ge @!p1 [sflag:s17], $0x8000  }
0x40: {  	[sflag:s17] =	ssyncset.done @!p1 $0x0  }
0x41: {  	s18 =	simm.s32 $0x410;
	[sflag:s17] =	ssyncadd.s32 @!p1 $0xFFFF8000  }
0x42: {  	v0 =	vld [tilespmem:s18+$0xFFFFFFF0];
	_ =	sdelay $0x3  }
0x43: {  	s17 =	simm.s32 $0x1  }
0x44: {  	s17 =	simm.s32 @!p0 $0x0;
	v17 =	vshll.u32 v0, $0x5;
	v0 =	vlaneseq.u32  }
0x45: {  	s17 =	sshll.u32 s17, $0xF;
	v0 =	vor.u32 v0, v17  }
0x46: {  	s17 =	sor.u32 $0x200, s17  }
0x47: {  	s19 =	sadd.s32 $0xFFFFFE00, s17  }
0x48: {  	v1 =	vor.u32 s19, v54  }
0x49: {  	v2 =	vld [tilespmem:s18+$0x0];
	v24 =	vsub.s32 v1, v17  }
0x4a: {  	v1 =	vadd.s32 v24, v0;
	v0 =	vld.idx.msk [tilespmem:v0+s1+$0x0], $0xffff  }
0x4b: {  	v3 =	vor.u32 v20, v17;
	_ =	sdelay $0x3  }
0x4c: {  	v9 =	vlaneseq.u32;
	v19 =	vshll.u32 v2, $0x5;
	[tilespmem:v1+s12+$0x0] =	vst.idx.msk $0xffff, v0  }
0x4d: {  	v0 =	vor.u32 v9, v19;
	v1 =	vadd.s32 v24, v3;
	v2 =	vld.idx.msk [tilespmem:v3+s1+$0x0], $0xffff  }
0x4e: {  	v3 =	vor.u32 v59, v17;
	_ =	sdelay $0x1  }
0x4f: {  	v4 =	vor.u32 s17, v54  }
0x50: {  	v14 =	vsub.s32 v4, v19  }
0x51: {  	v4 =	vadd.s32 v14, v0;
	v0 =	vld.idx.msk [tilespmem:v0+s1+$0x0], $0xffff;
	[tilespmem:v1+s12+$0x0] =	vst.idx.msk $0xffff, v2  }
0x52: {  	v1 =	vor.u32 v20, v19;
	v2 =	vadd.s32 v24, v3;
	v3 =	vld.idx.msk [tilespmem:v3+s1+$0x0], $0xffff  }
0x53: {  	v5 =	vor.u32 v21, v17;
	_ =	sdelay $0x2  }
0x54: {  	[tilespmem:v4+s12+$0x0] =	vst.idx.msk $0xffff, v0  }
0x55: {  	v0 =	vadd.s32 v14, v1;
	v1 =	vld.idx.msk [tilespmem:v1+s1+$0x0], $0xffff;
	[tilespmem:v2+s12+$0x0] =	vst.idx.msk $0xffff, v3  }
0x56: {  	v2 =	vor.u32 v59, v19;
	v3 =	vadd.s32 v24, v5;
	v4 =	vld.idx.msk [tilespmem:v5+s1+$0x0], $0xffff  }
0x57: {  	v5 =	vor.u32 v32, v17;
	_ =	sdelay $0x2  }
0x58: {  	[tilespmem:v0+s12+$0x0] =	vst.idx.msk $0xffff, v1  }
0x59: {  	v0 =	vadd.s32 v14, v2;
	v1 =	vld.idx.msk [tilespmem:v2+s1+$0x0], $0xffff;
	[tilespmem:v3+s12+$0x0] =	vst.idx.msk $0xffff, v4  }
0x5a: {  	v3 =	vadd.s32 v24, v5;
	v4 =	vld.idx.msk [tilespmem:v5+s1+$0x0], $0xffff;
	_ =	sdelay $0x3  }
0x5b: {  	v2 =	vor.u32 v21, v19;
	[tilespmem:v0+s12+$0x0] =	vst.idx.msk $0xffff, v1  }
0x5c: {  	v5 =	vor.u32 v35, v17;
	[tilespmem:v3+s12+$0x0] =	vst.idx.msk $0xffff, v4  }
0x5d: {  	v38 =	vld [tilespmem:$0x1FE40];
	_ =	sdelay $0x2  }
0x5e: {  	v0 =	vadd.s32 v14, v2;
	v1 =	vld.idx.msk [tilespmem:v2+s1+$0x0], $0xffff  }
0x5f: {  	v2 =	vor.u32 v32, v19;
	v3 =	vadd.s32 v24, v5;
	v4 =	vld.idx.msk [tilespmem:v5+s1+$0x0], $0xffff  }
0x60: {  	v5 =	vor.u32 v38, v17;
	_ =	sdelay $0x2  }
0x61: {  	[tilespmem:v0+s12+$0x0] =	vst.idx.msk $0xffff, v1  }
0x62: {  	v0 =	vadd.s32 v14, v2;
	v1 =	vld.idx.msk [tilespmem:v2+s1+$0x0], $0xffff;
	[tilespmem:v3+s12+$0x0] =	vst.idx.msk $0xffff, v4  }
0x63: {  	v2 =	vor.u32 v35, v19;
	v3 =	vadd.s32 v24, v5;
	v4 =	vld.idx.msk [tilespmem:v5+s1+$0x0], $0xffff  }
0x64: {  	v5 =	vor.u32 v52, v17;
	_ =	sdelay $0x2  }
0x65: {  	[tilespmem:v0+s12+$0x0] =	vst.idx.msk $0xffff, v1  }
0x66: {  	v0 =	vadd.s32 v14, v2;
	v1 =	vld.idx.msk [tilespmem:v2+s1+$0x0], $0xffff;
	[tilespmem:v3+s12+$0x0] =	vst.idx.msk $0xffff, v4  }
0x67: {  	v3 =	vadd.s32 v24, v5;
	v4 =	vld.idx.msk [tilespmem:v5+s1+$0x0], $0xffff;
	_ =	sdelay $0x3  }
0x68: {  	v2 =	vor.u32 v38, v19;
	[tilespmem:v0+s12+$0x0] =	vst.idx.msk $0xffff, v1  }
0x69: {  	v5 =	vor.u32 v55, v17;
	[tilespmem:v3+s12+$0x0] =	vst.idx.msk $0xffff, v4  }
0x6a: {  	v23 =	vld [tilespmem:$0x1FE50];
	_ =	sdelay $0x2  }
0x6b: {  	v0 =	vadd.s32 v14, v2;
	v1 =	vld.idx.msk [tilespmem:v2+s1+$0x0], $0xffff  }
0x6c: {  	v2 =	vor.u32 v52, v19;
	v3 =	vadd.s32 v24, v5;
	v4 =	vld.idx.msk [tilespmem:v5+s1+$0x0], $0xffff  }
0x6d: {  	s26 =	simm.s32 $0x430;
	v5 =	vor.u32 v23, v17  }
0x6e: {  	v6 =	vld [tilespmem:s26+$0xFFFFFFF0];
	_ =	sdelay $0x1  }
0x6f: {  	[tilespmem:v0+s12+$0x0] =	vst.idx.msk $0xffff, v1;
	v0 =	vld [tilespmem:s26+$0x0]  }
0x70: {  	v1 =	vadd.s32 v14, v2;
	v2 =	vld.idx.msk [tilespmem:v2+s1+$0x0], $0xffff;
	[tilespmem:v3+s12+$0x0] =	vst.idx.msk $0xffff, v4  }
0x71: {  	v3 =	vor.u32 v55, v19;
	v4 =	vadd.s32 v24, v5;
	v5 =	vld.idx.msk [tilespmem:v5+s1+$0x0], $0xffff  }
0x72: {  	v49 =	vshll.u32 v6, $0x5;
	v7 =	vor.u32 v57, v17  }
0x73: {  	v6 =	vor.u32 v9, v49  }
0x74: {  	s17 =	sadd.s32 $0x400, s17;
	v63 =	vshll.u32 v0, $0x5  }
0x75: {  	s28 =	sadd.s32 $0xFFFFFE00, s17;
	[tilespmem:v1+s12+$0x0] =	vst.idx.msk $0xffff, v2;
	v0 =	vor.u32 v9, v63  }
0x76: {  	v1 =	vadd.s32 v14, v3;
	v2 =	vld.idx.msk [tilespmem:v3+s1+$0x0], $0xffff;
	v3 =	vor.u32 s28, v54;
	[tilespmem:v4+s12+$0x0] =	vst.idx.msk $0xffff, v5  }
0x77: {  	v51 =	vsub.s32 v3, v49;
	v3 =	vadd.s32 v24, v7;
	v4 =	vor.u32 v23, v19;
	v5 =	vld.idx.msk [tilespmem:v7+s1+$0x0], $0xffff  }
0x78: {  	v29 =	vmovc v8;
	v9 =	vor.u32 v28, v17;
	v8 =	vadd.s32 v51, v6;
	v6 =	vld.idx.msk [tilespmem:v6+s1+$0x0], $0xffff;
	v7 =	vor.u32 s17, v54  }
0x79: {  	v41 =	vsub.s32 v7, v63;
	v7 =	vor.u32 v20, v49;
	_ =	sdelay $0x1  }
0x7a: {  	[tilespmem:v1+s12+$0x0] =	vst.idx.msk $0xffff, v2;
	v10 =	vadd.s32 v41, v0;
	v0 =	vld.idx.msk [tilespmem:v0+s1+$0x0], $0xffff  }
0x7b: {  	v2 =	vadd.s32 v14, v4;
	v4 =	vld.idx.msk [tilespmem:v4+s1+$0x0], $0xffff;
	[tilespmem:v3+s12+$0x0] =	vst.idx.msk $0xffff, v5  }
0x7c: {  	[tilespmem:v8+s12+$0x0] =	vst.idx.msk $0xffff, v6;
	v5 =	vadd.s32 v24, v9;
	v6 =	vld.idx.msk [tilespmem:v9+s1+$0x0], $0xffff  }
0x7d: {  	v1 =	vor.u32 v20, v63;
	v8 =	vadd.s32 v51, v7;
	v7 =	vld.idx.msk [tilespmem:v7+s1+$0x0], $0xffff;
	_ =	sdelay $0x1  }
0x7e: {  	[tilespmem:v10+s12+$0x0] =	vst.idx.msk $0xffff, v0  }
0x7f: {  	v3 =	vor.u32 v57, v19;
	[tilespmem:v2+s12+$0x0] =	vst.idx.msk $0xffff, v4  }
0x80: {  	[tilespmem:v5+s12+$0x0] =	vst.idx.msk $0xffff, v6  }
0x81: {  	v9 =	vor.u32 v58, v17;
	v10 =	vadd.s32 v41, v1;
	v1 =	vld.idx.msk [tilespmem:v1+s1+$0x0], $0xffff;
	[tilespmem:v8+s12+$0x0] =	vst.idx.msk $0xffff, v7  }
0x82: {  	v0 =	vor.u32 v59, v49;
	v36 =	vld [tilespmem:$0x1FE60]  }
0x83: {  	v2 =	vor.u32 v59, v63  }
0x84: {  	v4 =	vadd.s32 v14, v3;
	v3 =	vld.idx.msk [tilespmem:v3+s1+$0x0], $0xffff;
	_ =	sdelay $0x1  }
0x85: {  	v5 =	vor.u32 v28, v19;
	v6 =	vld.idx.msk [tilespmem:v9+s1+$0x0], $0xffff;
	v9 =	vadd.s32 v24, v9  }
0x86: {  	v7 =	vadd.s32 v51, v0;
	v0 =	vld.idx.msk [tilespmem:v0+s1+$0x0], $0xffff;
	[tilespmem:v10+s12+$0x0] =	vst.idx.msk $0xffff, v1;
	v8 =	vor.u32 v36, v17  }
0x87: {  	v1 =	vor.u32 v21, v49;
	v10 =	vadd.s32 v41, v2;
	v2 =	vld.idx.msk [tilespmem:v2+s1+$0x0], $0xffff  }
0x88: {  	[tilespmem:v4+s12+$0x0] =	vst.idx.msk $0xffff, v3;
	v3 =	vor.u32 v21, v63;
	_ =	sdelay $0x1  }
0x89: {  	v4 =	vadd.s32 v14, v5;
	v5 =	vld.idx.msk [tilespmem:v5+s1+$0x0], $0xffff;
	[tilespmem:v9+s12+$0x0] =	vst.idx.msk $0xffff, v6  }
0x8a: {  	v6 =	vor.u32 v58, v19;
	[tilespmem:v7+s12+$0x0] =	vst.idx.msk $0xffff, v0;
	v9 =	vadd.s32 v24, v8;
	v8 =	vld.idx.msk [tilespmem:v8+s1+$0x0], $0xffff  }
0x8b: {  	v0 =	vadd.s32 v51, v1;
	v7 =	vor.u32 v60, v17;
	v1 =	vld.idx.msk [tilespmem:v1+s1+$0x0], $0xffff;
	[tilespmem:v10+s12+$0x0] =	vst.idx.msk $0xffff, v2  }
0x8c: {  	v2 =	vor.u32 v32, v49;
	v10 =	vadd.s32 v41, v3;
	v3 =	vld.idx.msk [tilespmem:v3+s1+$0x0], $0xffff  }
0x8d: {  	v11 =	vor.u32 v32, v63  }
0x8e: {  	[tilespmem:v4+s12+$0x0] =	vst.idx.msk $0xffff, v5  }
0x8f: {  	v4 =	vadd.s32 v14, v6;
	v5 =	vld.idx.msk [tilespmem:v6+s1+$0x0], $0xffff;
	[tilespmem:v9+s12+$0x0] =	vst.idx.msk $0xffff, v8  }
0x90: {  	v6 =	vor.u32 v36, v19;
	[tilespmem:v0+s12+$0x0] =	vst.idx.msk $0xffff, v1;
	v8 =	vadd.s32 v24, v7;
	v7 =	vld.idx.msk [tilespmem:v7+s1+$0x0], $0xffff  }
0x91: {  	v0 =	vadd.s32 v51, v2;
	v1 =	vor.u32 v61, v17;
	v2 =	vld.idx.msk [tilespmem:v2+s1+$0x0], $0xffff;
	[tilespmem:v10+s12+$0x0] =	vst.idx.msk $0xffff, v3  }
0x92: {  	v3 =	vor.u32 v35, v49;
	v10 =	vld.idx.msk [tilespmem:v11+s1+$0x0], $0xffff;
	v9 =	vadd.s32 v41, v11  }
0x93: {  	v11 =	vor.u32 v35, v63  }
0x94: {  	[tilespmem:v4+s12+$0x0] =	vst.idx.msk $0xffff, v5  }
0x95: {  	v4 =	vadd.s32 v14, v6;
	v5 =	vld.idx.msk [tilespmem:v6+s1+$0x0], $0xffff;
	[tilespmem:v8+s12+$0x0] =	vst.idx.msk $0xffff, v7  }
0x96: {  	v6 =	vor.u32 v60, v19;
	[tilespmem:v0+s12+$0x0] =	vst.idx.msk $0xffff, v2;
	v7 =	vadd.s32 v24, v1;
	v1 =	vld.idx.msk [tilespmem:v1+s1+$0x0], $0xffff  }
0x97: {  	v0 =	vadd.s32 v51, v3;
	v2 =	vor.u32 v62, v17;
	v3 =	vld.idx.msk [tilespmem:v3+s1+$0x0], $0xffff;
	[tilespmem:v9+s12+$0x0] =	vst.idx.msk $0xffff, v10  }
0x98: {  	v9 =	vadd.s32 v41, v11;
	v8 =	vor.u32 v38, v49;
	v10 =	vld.idx.msk [tilespmem:v11+s1+$0x0], $0xffff  }
0x99: {  	v11 =	vor.u32 v38, v63  }
0x9a: {  	[tilespmem:v4+s12+$0x0] =	vst.idx.msk $0xffff, v5  }
0x9b: {  	v4 =	vadd.s32 v14, v6;
	[tilespmem:v7+s12+$0x0] =	vst.idx.msk $0xffff, v1;
	v1 =	vld.idx.msk [tilespmem:v6+s1+$0x0], $0xffff  }
0x9c: {  	v5 =	vor.u32 v61, v19;
	[tilespmem:v0+s12+$0x0] =	vst.idx.msk $0xffff, v3;
	v6 =	vadd.s32 v24, v2;
	v2 =	vld.idx.msk [tilespmem:v2+s1+$0x0], $0xffff  }
0x9d: {  	v0 =	vadd.s32 v51, v8;
	v3 =	vor.u32 v46, v17;
	[tilespmem:v9+s12+$0x0] =	vst.idx.msk $0xffff, v10;
	v7 =	vld.idx.msk [tilespmem:v8+s1+$0x0], $0xffff  }
0x9e: {  	v9 =	vadd.s32 v41, v11;
	v8 =	vor.u32 v52, v49;
	v10 =	vld.idx.msk [tilespmem:v11+s1+$0x0], $0xffff  }
0x9f: {  	v11 =	vor.u32 v52, v63  }
0xa0: {  	[tilespmem:v4+s12+$0x0] =	vst.idx.msk $0xffff, v1  }
0xa1: {  	v4 =	vadd.s32 v14, v5;
	[tilespmem:v6+s12+$0x0] =	vst.idx.msk $0xffff, v2;
	v2 =	vld.idx.msk [tilespmem:v5+s1+$0x0], $0xffff  }
0xa2: {  	[tilespmem:v0+s12+$0x0] =	vst.idx.msk $0xffff, v7;
	v5 =	vor.u32 v62, v19;
	v6 =	vadd.s32 v24, v3;
	v3 =	vld.idx.msk [tilespmem:v3+s1+$0x0], $0xffff  }
0xa3: {  	v12 =	vor.u32 v47, v17;
	v7 =	vadd.s32 v51, v8;
	[tilespmem:v9+s12+$0x0] =	vst.idx.msk $0xffff, v10;
	v8 =	vld.idx.msk [tilespmem:v8+s1+$0x0], $0xffff  }
0xa4: {  	s29 =	simm.s32 $0x450;
	v9 =	vor.u32 v55, v49;
	v10 =	vadd.s32 v41, v11;
	v11 =	vld.idx.msk [tilespmem:v11+s1+$0x0], $0xffff  }
0xa5: {  	v22 =	vld [tilespmem:s29+$0xFFFFFFF0]  }
0xa6: {  	v25 =	vld [tilespmem:s29+$0x0];
	[tilespmem:v4+s12+$0x0] =	vst.idx.msk $0xffff, v2  }
0xa7: {  	v15 =	vor.u32 v55, v63;
	v2 =	vadd.s32 v14, v5;
	[tilespmem:v6+s12+$0x0] =	vst.idx.msk $0xffff, v3;
	v3 =	vld.idx.msk [tilespmem:v5+s1+$0x0], $0xffff  }
0xa8: {  	v13 =	vor.u32 v46, v19;
	[tilespmem:v7+s12+$0x0] =	vst.idx.msk $0xffff, v8;
	v5 =	vadd.s32 v24, v12;
	v12 =	vld.idx.msk [tilespmem:v12+s1+$0x0], $0xffff  }
0xa9: {  	v8 =	vadd.s32 v51, v9;
	[tilespmem:v10+s12+$0x0] =	vst.idx.msk $0xffff, v11;
	v9 =	vld.idx.msk [tilespmem:v9+s1+$0x0], $0xffff  }
0xaa: {  	v10 =	vld [tilespmem:$0x1FE80]  }
0xab: {  	v33 =	vmov v20;
	v16 =	vor.u32 v45, v17;
	v27 =	vmov v23;
	v11 =	vld [tilespmem:$0x1FE90]  }
0xac: {  	v23 =	vor.u32 v23, v49;
	v20 =	vadd.s32 v41, v15;
	v15 =	vld.idx.msk [tilespmem:v15+s1+$0x0], $0xffff;
	[tilespmem:v2+s12+$0x0] =	vst.idx.msk $0xffff, v3  }
0xad: {  	s30 =	sadd.s32 $0x400, s17;
	v27 =	vor.u32 v27, v63;
	[tilespmem:v5+s12+$0x0] =	vst.idx.msk $0xffff, v12;
	v5 =	vld.idx.msk [tilespmem:v13+s1+$0x0], $0xffff  }
0xae: {  	v42 =	vshll.u32 v22, $0x5;
	v48 =	vshll.u32 v25, $0x5;
	s17 =	sadd.s32 $0xFFFFFE00, s30;
	v40 =	vld [tilespmem:$0x1FFA0]  }
0xaf: {  	v53 =	vmovc v28;
	v31 =	vor.u32 s17, v54;
	v4 =	vadd.s32 v14, v13;
	v6 =	vor.u32 v47, v19;
	v43 =	vld [tilespmem:$0x1FFB0]  }
0xb0: {  	v37 =	vcombine.low v10, v11;
	v10 =	vadd.s32 v24, v16;
	v12 =	vld.idx.msk [tilespmem:v16+s1+$0x0], $0xffff;
	[tilespmem:v8+s12+$0x0] =	vst.idx.msk $0xffff, v9  }
0xb1: {  	v39 =	vlaneseq.u32;
	v2 =	vadd.s32 v51, v23;
	v8 =	vor.u32 v29, v17;
	[tilespmem:v20+s12+$0x0] =	vst.idx.msk $0xffff, v15;
	v13 =	vld.idx.msk [tilespmem:v23+s1+$0x0], $0xffff  }
0xb2: {  	v28 =	vor.u32 v29, v19;
	v3 =	vadd.s32 v41, v27;
	v29 =	vor.u32 v57, v49;
	v22 =	vld.idx.msk [tilespmem:v27+s1+$0x0], $0xffff  }
0xb3: {  	v7 =	vadd.s32 v14, v6;
	v11 =	vor.u32 v45, v19;
	v27 =	vor.u32 v39, v42  }
0xb4: {  	v9 =	vor.u32 v30, v19;
	v20 =	vor.u32 s30, v54;
	v16 =	vadd.s32 v24, v8;
	[tilespmem:v4+s12+$0x0] =	vst.idx.msk $0xffff, v5  }
0xb5: {  	v23 =	vor.u32 v30, v17;
	v30 =	vor.u32 v57, v63;
	[tilespmem:v10+s12+$0x0] =	vst.idx.msk $0xffff, v12;
	v5 =	vld.idx.msk [tilespmem:v6+s1+$0x0], $0xffff  }
0xb6: {  	v50 =	vsub.s32 v20, v48;
	v4 =	vor.u32 v39, v48;
	v8 =	vld.idx.msk [tilespmem:v8+s1+$0x0], $0xffff;
	[tilespmem:v2+s12+$0x0] =	vst.idx.msk $0xffff, v13  }
0xb7: {  	v20 =	vor.u32 v58, v48;
	v10 =	vadd.s32 v51, v29;
	[tilespmem:v3+s12+$0x0] =	vst.idx.msk $0xffff, v22;
	v12 =	vld.idx.msk [tilespmem:v29+s1+$0x0], $0xffff  }
0xb8: {  	v56 =	vsub.s32 v31, v42;
	v25 =	vld.idx.msk [tilespmem:v27+s1+$0x0], $0xffff;
	[tilespmem:$0x1FD00] =	vst v20;
	v20 =	vadd.s32 v50, v20  }
0xb9: {  	v6 =	vadd.s32 v56, v27;
	[tilespmem:$0x1FD10] =	vst v20  }
0xba: {  	v13 =	vadd.s32 v41, v30;
	v29 =	vld.idx.msk [tilespmem:v30+s1+$0x0], $0xffff;
	[tilespmem:v7+s12+$0x0] =	vst.idx.msk $0xffff, v5  }
0xbb: {  	v34 =	vcombine.low v43, v40;
	v2 =	vadd.s32 v50, v4;
	v4 =	vld.idx.msk [tilespmem:v4+s1+$0x0], $0xffff;
	[tilespmem:v16+s12+$0x0] =	vst.idx.msk $0xffff, v8  }
0xbc: {  	v26 =	vadd.s32 v14, v11;
	v11 =	vld.idx.msk [tilespmem:v11+s1+$0x0], $0xffff;
	[tilespmem:v10+s12+$0x0] =	vst.idx.msk $0xffff, v12  }
0xbd: {  	v12 =	vld.idx.msk [tilespmem:v23+s1+$0x0], $0xffff;
	[tilespmem:$0x1FE30] =	vst v34  }
0xbe: {  	[tilespmem:v6+s12+$0x0] =	vst.idx.msk $0xffff, v25  }
0xbf: {  	[tilespmem:v13+s12+$0x0] =	vst.idx.msk $0xffff, v29  }
0xc0: {  	v27 =	vor.u32 v53, v49;
	[tilespmem:v2+s12+$0x0] =	vst.idx.msk $0xffff, v4  }
0xc1: {  	v4 =	vld [tilespmem:$0x1FEE0]  }
0xc2: {  	v20 =	vld [tilespmem:$0x1FEF0];
	_ =	sdelay $0x2  }
0xc3: {  	v3 =	vadd.s32 v24, v23;
	v6 =	vld.idx.msk [tilespmem:v27+s1+$0x0], $0xffff  }
0xc4: {  	v22 =	vadd.s32 v51, v27;
	v39 =	vld [tilespmem:$0x1FED0]  }
0xc5: {  	v4 =	vsel vm0, v4, v20;
	v20 =	vld [tilespmem:$0x1FEC0];
	_ =	sdelay $0x1  }
0xc6: {  	[tilespmem:v26+s12+$0x0] =	vst.idx.msk $0xffff, v11  }
0xc7: {  	[tilespmem:v3+s12+$0x0] =	vst.idx.msk $0xffff, v12  }
0xc8: {  	v31 =	vor.u32 v33, v42;
	[tilespmem:v22+s12+$0x0] =	vst.idx.msk $0xffff, v6  }
0xc9: {  	v30 =	vor.u32 v53, v63;
	v53 =	vmovc v33;
	v7 =	vor.u32 v33, v48;
	v3 =	vld [tilespmem:$0x1FF40];
	v33 =	vsel vm0, v20, v39  }
0xca: {  	v20 =	vcombine.low v4, v33;
	v4 =	vld [tilespmem:$0x1FF50];
	_ =	sdelay $0x3  }
0xcb: {  	v6 =	vld [tilespmem:$0x1FF30]  }
0xcc: {  	v13 =	vor.u32 v58, v49;
	v3 =	vsel vm0, v3, v4;
	v4 =	vld [tilespmem:$0x1FF20]  }
0xcd: {  	v8 =	vadd.s32 v56, v31;
	v23 =	vor.u32 v34, v17;
	v2 =	vld.idx.msk [tilespmem:v31+s1+$0x0], $0xffff;
	_ =	sdelay $0x1  }
0xce: {  	v16 =	vadd.s32 v50, v7;
	v31 =	vor.u32 v59, v42;
	v7 =	vld.idx.msk [tilespmem:v7+s1+$0x0], $0xffff  }
0xcf: {  	v15 =	vadd.s32 v14, v28;
	v26 =	vor.u32 v59, v48;
	v28 =	vld.idx.msk [tilespmem:v28+s1+$0x0], $0xffff  }
0xd0: {  	v12 =	vadd.s32 v51, v13;
	v4 =	vsel vm0, v4, v6;
	v6 =	vld.idx.msk [tilespmem:v13+s1+$0x0], $0xffff;
	[tilespmem:$0x1FD20] =	vst v20  }
0xd1: {  	v25 =	vadd.s32 v24, v23;
	[tilespmem:v8+s12+$0x0] =	vst.idx.msk $0xffff, v2;
	v8 =	vld.idx.msk [tilespmem:v23+s1+$0x0], $0xffff  }
0xd2: {  	v11 =	vadd.s32 v56, v31;
	v22 =	vor.u32 v20, v19;
	v2 =	vor.u32 v36, v49  }
0xd3: {  	v13 =	vor.u32 v20, v17;
	v20 =	vcombine.low v4, v3;
	[tilespmem:v16+s12+$0x0] =	vst.idx.msk $0xffff, v7;
	v3 =	vld.idx.msk [tilespmem:v31+s1+$0x0], $0xffff  }
0xd4: {  	v18 =	vadd.s32 v50, v26;
	[tilespmem:v15+s12+$0x0] =	vst.idx.msk $0xffff, v28;
	v23 =	vld.idx.msk [tilespmem:v26+s1+$0x0], $0xffff  }
0xd5: {  	v10 =	vadd.s32 v14, v9;
	v16 =	vor.u32 v21, v42;
	v9 =	vld.idx.msk [tilespmem:v9+s1+$0x0], $0xffff;
	[tilespmem:v12+s12+$0x0] =	vst.idx.msk $0xffff, v6  }
0xd6: {  	v5 =	vadd.s32 v41, v30;
	v15 =	vor.u32 v21, v48;
	v6 =	vld.idx.msk [tilespmem:v30+s1+$0x0], $0xffff;
	[tilespmem:v25+s12+$0x0] =	vst.idx.msk $0xffff, v8  }
0xd7: {  	v27 =	vor.u32 v34, v19;
	v4 =	vadd.s32 v51, v2;
	v2 =	vld.idx.msk [tilespmem:v2+s1+$0x0], $0xffff;
	[tilespmem:$0x1FD30] =	vst v20  }
0xd8: {  	v1 =	vor.u32 v58, v63;
	v44 =	vadd.s32 v24, v13;
	[tilespmem:v11+s12+$0x0] =	vst.idx.msk $0xffff, v3;
	v11 =	vld.idx.msk [tilespmem:v13+s1+$0x0], $0xffff  }
0xd9: {  	v3 =	vor.u32 v60, v49;
	[tilespmem:v18+s12+$0x0] =	vst.idx.msk $0xffff, v23  }
0xda: {  	v28 =	vadd.s32 v56, v16;
	[tilespmem:v10+s12+$0x0] =	vst.idx.msk $0xffff, v9;
	v16 =	vld.idx.msk [tilespmem:v16+s1+$0x0], $0xffff  }
0xdb: {  	v31 =	vadd.s32 v50, v15;
	v15 =	vld.idx.msk [tilespmem:v15+s1+$0x0], $0xffff;
	[tilespmem:v5+s12+$0x0] =	vst.idx.msk $0xffff, v6  }
0xdc: {  	v29 =	vadd.s32 v14, v27;
	v27 =	vld.idx.msk [tilespmem:v27+s1+$0x0], $0xffff;
	[tilespmem:v4+s12+$0x0] =	vst.idx.msk $0xffff, v2  }
0xdd: {  	v0 =	vadd.s32 v41, v1;
	v1 =	vld.idx.msk [tilespmem:v1+s1+$0x0], $0xffff;
	[tilespmem:v44+s12+$0x0] =	vst.idx.msk $0xffff, v11  }
0xde: {  	v23 =	vadd.s32 v51, v3;
	v3 =	vld.idx.msk [tilespmem:v3+s1+$0x0], $0xffff;
	[tilespmem:$0x1FD40] =	vst v37  }
0xdf: {  	v12 =	vor.u32 v20, v17;
	[tilespmem:v28+s12+$0x0] =	vst.idx.msk $0xffff, v16  }
0xe0: {  	[tilespmem:v31+s12+$0x0] =	vst.idx.msk $0xffff, v15  }
0xe1: {  	v34 =	vor.u32 v32, v42;
	[tilespmem:v29+s12+$0x0] =	vst.idx.msk $0xffff, v27  }
0xe2: {  	v25 =	vor.u32 v20, v19;
	v10 =	vor.u32 v32, v48;
	v20 =	vld [tilespmem:$0x1FEA0]  }
0xe3: {  	v29 =	vld [tilespmem:$0x1FEB0]  }
0xe4: {  	v7 =	vor.u32 v36, v63;
	v8 =	vadd.s32 v24, v12;
	v12 =	vld.idx.msk [tilespmem:v12+s1+$0x0], $0xffff  }
0xe5: {  	v16 =	vor.u32 v61, v49  }
0xe6: {  	v5 =	vadd.s32 v56, v34;
	v33 =	vld.idx.msk [tilespmem:v34+s1+$0x0], $0xffff  }
0xe7: {  	v4 =	vadd.s32 v50, v10;
	v10 =	vld.idx.msk [tilespmem:v10+s1+$0x0], $0xffff;
	[tilespmem:v0+s12+$0x0] =	vst.idx.msk $0xffff, v1  }
0xe8: {  	v30 =	vadd.s32 v14, v22;
	v22 =	vld.idx.msk [tilespmem:v22+s1+$0x0], $0xffff;
	[tilespmem:v23+s12+$0x0] =	vst.idx.msk $0xffff, v3;
	v20 =	vcombine.low v20, v29  }
0xe9: {  	v26 =	vadd.s32 v41, v7;
	v7 =	vld.idx.msk [tilespmem:v7+s1+$0x0], $0xffff;
	[tilespmem:v8+s12+$0x0] =	vst.idx.msk $0xffff, v12  }
0xea: {  	v8 =	vld.idx.msk [tilespmem:v16+s1+$0x0], $0xffff;
	[tilespmem:$0x1FD50] =	vst v20  }
0xeb: {  	v2 =	vor.u32 v37, v17;
	[tilespmem:v5+s12+$0x0] =	vst.idx.msk $0xffff, v33  }
0xec: {  	[tilespmem:v4+s12+$0x0] =	vst.idx.msk $0xffff, v10  }
0xed: {  	v44 =	vor.u32 v35, v42;
	v15 =	vadd.s32 v51, v16;
	[tilespmem:v30+s12+$0x0] =	vst.idx.msk $0xffff, v22  }
0xee: {  	v1 =	vor.u32 v35, v48;
	v23 =	vor.u32 v20, v17;
	v16 =	vor.u32 v20, v19;
	v20 =	vld [tilespmem:$0x1FF00]  }
0xef: {  	v22 =	vld [tilespmem:$0x1FF10]  }
0xf0: {  	v18 =	vor.u32 v60, v63;
	v6 =	vadd.s32 v24, v2;
	v2 =	vld.idx.msk [tilespmem:v2+s1+$0x0], $0xffff  }
0xf1: {  	v5 =	vor.u32 v62, v49  }
0xf2: {  	v0 =	vadd.s32 v56, v44;
	v4 =	vld.idx.msk [tilespmem:v44+s1+$0x0], $0xffff  }
0xf3: {  	v3 =	vadd.s32 v50, v1;
	v1 =	vld.idx.msk [tilespmem:v1+s1+$0x0], $0xffff;
	[tilespmem:v26+s12+$0x0] =	vst.idx.msk $0xffff, v7  }
0xf4: {  	v13 =	vadd.s32 v14, v25;
	v25 =	vld.idx.msk [tilespmem:v25+s1+$0x0], $0xffff;
	[tilespmem:v15+s12+$0x0] =	vst.idx.msk $0xffff, v8;
	v20 =	vcombine.low v20, v22  }
0xf5: {  	v8 =	vld.idx.msk [tilespmem:v18+s1+$0x0], $0xffff;
	[tilespmem:v6+s12+$0x0] =	vst.idx.msk $0xffff, v2  }
0xf6: {  	v10 =	vadd.s32 v51, v5;
	v5 =	vld.idx.msk [tilespmem:v5+s1+$0x0], $0xffff;
	[tilespmem:$0x1FD60] =	vst v20;
	v6 =	vor.u32 v20, v19  }
0xf7: {  	v9 =	vadd.s32 v41, v18;
	[tilespmem:v0+s12+$0x0] =	vst.idx.msk $0xffff, v4;
	v18 =	vadd.s32 v14, v6  }
0xf8: {  	v4 =	vld.idx.msk [tilespmem:v23+s1+$0x0], $0xffff;
	[tilespmem:$0x1FDD0] =	vst v18  }
0xf9: {  	[tilespmem:v3+s12+$0x0] =	vst.idx.msk $0xffff, v1  }
0xfa: {  	v34 =	vor.u32 v38, v42;
	[tilespmem:v13+s12+$0x0] =	vst.idx.msk $0xffff, v25  }
0xfb: {  	v30 =	vor.u32 v38, v48;
	v15 =	vor.u32 v20, v17;
	v20 =	vld [tilespmem:$0x1FF60]  }
0xfc: {  	v11 =	vor.u32 v37, v19;
	v12 =	vadd.s32 v24, v23;
	v23 =	vld [tilespmem:$0x1FF70]  }
0xfd: {  	v31 =	vor.u32 v61, v63  }
0xfe: {  	v0 =	vor.u32 v46, v49  }
0xff: {  	v22 =	vadd.s32 v56, v34;
	v26 =	vld.idx.msk [tilespmem:v34+s1+$0x0], $0xffff  }
0x100: {  	v7 =	vadd.s32 v50, v30;
	v18 =	vor.u32 v52, v42;
	v30 =	vld.idx.msk [tilespmem:v30+s1+$0x0], $0xffff;
	[tilespmem:v9+s12+$0x0] =	vst.idx.msk $0xffff, v8  }
0x101: {  	v13 =	vor.u32 v52, v48;
	v9 =	vld.idx.msk [tilespmem:v11+s1+$0x0], $0xffff;
	[tilespmem:v10+s12+$0x0] =	vst.idx.msk $0xffff, v5;
	v44 =	vcombine.low v20, v23  }
0x102: {  	v28 =	vadd.s32 v14, v11;
	v5 =	vld.idx.msk [tilespmem:v31+s1+$0x0], $0xffff;
	[tilespmem:v12+s12+$0x0] =	vst.idx.msk $0xffff, v4  }
0x103: {  	v2 =	vadd.s32 v24, v15;
	v1 =	vadd.s32 v51, v0;
	v0 =	vld.idx.msk [tilespmem:v0+s1+$0x0], $0xffff;
	[tilespmem:$0x1FD70] =	vst v44  }
0x104: {  	v25 =	vcombine.low v40, v43;
	v40 =	vor.u32 v47, v63;
	[tilespmem:v22+s12+$0x0] =	vst.idx.msk $0xffff, v26;
	v15 =	vld.idx.msk [tilespmem:v15+s1+$0x0], $0xffff  }
0x105: {  	v4 =	vadd.s32 v41, v40;
	[tilespmem:v7+s12+$0x0] =	vst.idx.msk $0xffff, v30;
	v7 =	vld.idx.msk [tilespmem:v18+s1+$0x0], $0xffff  }
0x106: {  	v11 =	vadd.s32 v50, v13;
	v13 =	vld.idx.msk [tilespmem:v13+s1+$0x0], $0xffff;
	[tilespmem:$0x1FE10] =	vst v4  }
0x107: {  	[tilespmem:v28+s12+$0x0] =	vst.idx.msk $0xffff, v9  }
0x108: {  	v4 =	vld [tilespmem:$0x1FF80]  }
0x109: {  	v9 =	vld [tilespmem:$0x1FF90]  }
0x10a: {  	v27 =	vadd.s32 v41, v31;
	_ =	sdelay $0x2  }
0x10b: {  	v29 =	vor.u32 v62, v63  }
0x10c: {  	v22 =	vor.u32 v47, v49;
	v28 =	vcombine.low v4, v9  }
0x10d: {  	v39 =	vadd.s32 v14, v16;
	v8 =	vadd.s32 v56, v18;
	v16 =	vld.idx.msk [tilespmem:v16+s1+$0x0], $0xffff;
	[tilespmem:v27+s12+$0x0] =	vst.idx.msk $0xffff, v5  }
0x10e: {  	s17 =	simm.s32 $0x470;
	v10 =	vor.u32 v44, v17;
	v4 =	vld [tilespmem:$0x1FE70];
	[tilespmem:v1+s12+$0x0] =	vst.idx.msk $0xffff, v0;
	v0 =	vor.u32 v28, v17  }
0x10f: {  	v30 =	vor.u32 v55, v42;
	v5 =	vld [tilespmem:s17+$0x0];
	[tilespmem:v2+s12+$0x0] =	vst.idx.msk $0xffff, v15;
	v2 =	vadd.s32 v24, v0  }
0x110: {  	v1 =	vld.idx.msk [tilespmem:v29+s1+$0x0], $0xffff;
	[tilespmem:$0x1FDE0] =	vst v2  }
0x111: {  	v37 =	vadd.s32 v41, v29;
	v34 =	vor.u32 v28, v19;
	v15 =	vld.idx.msk [tilespmem:v22+s1+$0x0], $0xffff;
	[tilespmem:$0x1FD80] =	vst v28  }
0x112: {  	v31 =	vor.u32 v55, v48;
	v2 =	vadd.s32 v14, v34;
	[tilespmem:v8+s12+$0x0] =	vst.idx.msk $0xffff, v7  }
0x113: {  	v26 =	vadd.s32 v51, v22;
	v9 =	vadd.s32 $0x1F, v4;
	v8 =	vld.idx.msk [tilespmem:v10+s1+$0x0], $0xffff;
	[tilespmem:$0x1FD90] =	vst v2  }
0x114: {  	v20 =	vadd.s32 v24, v10;
	v22 =	vld.idx.msk [tilespmem:v30+s1+$0x0], $0xffff;
	[tilespmem:$0x1FDA0] =	vst v9  }
0x115: {  	v3 =	vor.u32 v46, v63;
	v2 =	vld [tilespmem:$0x1FE50];
	[tilespmem:v11+s12+$0x0] =	vst.idx.msk $0xffff, v13  }
0x116: {  	v43 =	vadd.s32 v50, v31;
	v11 =	vld [tilespmem:s17+$0xFFFFFFF0];
	[tilespmem:v39+s12+$0x0] =	vst.idx.msk $0xffff, v16  }
0x117: {  	v18 =	vadd.s32 v56, v30;
	v7 =	vor.u32 v45, v49;
	[tilespmem:v37+s12+$0x0] =	vst.idx.msk $0xffff, v1;
	v31 =	vld.idx.msk [tilespmem:v31+s1+$0x0], $0xffff  }
0x118: {  	v12 =	vor.u32 v44, v19;
	v6 =	vld.idx.msk [tilespmem:v6+s1+$0x0], $0xffff;
	[tilespmem:v26+s12+$0x0] =	vst.idx.msk $0xffff, v15;
	v15 =	vor.u32 v25, v17  }
0x119: {  	v38 =	vadd.s32 v14, v12;
	v27 =	vmov v14;
	v14 =	vld [tilespmem:$0x1FFC0];
	[tilespmem:v20+s12+$0x0] =	vst.idx.msk $0xffff, v8;
	v1 =	vadd.s32 v24, v15  }
0x11a: {  	v33 =	vadd.s32 v41, v3;
	v3 =	vld.idx.msk [tilespmem:v3+s1+$0x0], $0xffff;
	[tilespmem:$0x1FE20] =	vst v1  }
0x11b: {  	v23 =	vmov v48;
	v48 =	vor.u32 v9, v19;
	v19 =	vor.u32 v25, v19;
	[tilespmem:$0x1FDB0] =	vst v25  }
0x11c: {  	v10 =	vadd.s32 v51, v7;
	v1 =	vadd.s32 v27, v19;
	v7 =	vld.idx.msk [tilespmem:v7+s1+$0x0], $0xffff;
	[tilespmem:v18+s12+$0x0] =	vst.idx.msk $0xffff, v22  }
0x11d: {  	v8 =	vld [tilespmem:$0x1FFF0];
	[tilespmem:$0x1FDC0] =	vst v1  }
0x11e: {  	v1 =	vld.idx.msk [tilespmem:v0+s1+$0x0], $0xffff;
	[tilespmem:v43+s12+$0x0] =	vst.idx.msk $0xffff, v31  }
0x11f: {  	v0 =	vld [tilespmem:$0x1FDD0];
	_ =	sdelay $0x2  }
0x120: {  	v44 =	vor.u32 v9, v17  }
0x121: {  	v9 =	vor.u32 v2, v42;
	v13 =	vor.u32 v2, v23;
	v2 =	vor.u32 v8, v49;
	_ =	sdelay $0x1  }
0x122: {  	s18 =	sadd.s32 $0x400, s30;
	[tilespmem:v33+s12+$0x0] =	vst.idx.msk $0xffff, v3  }
0x123: {  	s31 =	sadd.s32 $0xFFFFFE00, s18;
	v20 =	vshll.u32 v5, $0x5;
	v28 =	vor.u32 v14, v63;
	v36 =	vor.u32 v14, v49;
	[tilespmem:v10+s12+$0x0] =	vst.idx.msk $0xffff, v7  }
0x124: {  	v14 =	vshll.u32 v11, $0x5;
	v3 =	vor.u32 s31, v54;
	[tilespmem:v0+s12+$0x0] =	vst.idx.msk $0xffff, v6;
	v0 =	vlaneseq.u32  }
0x125: {  	v22 =	vsub.s32 v3, v14;
	v33 =	vor.u32 v0, v14;
	v3 =	vor.u32 v0, v20;
	v0 =	vld.idx.msk [tilespmem:v2+s1+$0x0], $0xffff  }
0x126: {  	v18 =	vadd.s32 v51, v2;
	v2 =	vld [tilespmem:$0x1FDE0];
	_ =	sdelay $0x1  }
0x127: {  	v16 =	vadd.s32 v56, v9;
	v9 =	vld.idx.msk [tilespmem:v9+s1+$0x0], $0xffff  }
0x128: {  	v43 =	vor.u32 v57, v42  }
0x129: {  	v39 =	vadd.s32 v50, v13;
	v11 =	vld.idx.msk [tilespmem:v13+s1+$0x0], $0xffff  }
0x12a: {  	v5 =	vld.idx.msk [tilespmem:v12+s1+$0x0], $0xffff  }
0x12b: {  	v12 =	vld.idx.msk [tilespmem:v40+s1+$0x0], $0xffff  }
0x12c: {  	v30 =	vor.u32 v8, v63;
	[tilespmem:v16+s12+$0x0] =	vst.idx.msk $0xffff, v9;
	v8 =	vld.idx.msk [tilespmem:v33+s1+$0x0], $0xffff  }
0x12d: {  	v6 =	vor.u32 s18, v54;
	[tilespmem:v2+s12+$0x0] =	vst.idx.msk $0xffff, v1;
	v2 =	vld.idx.msk [tilespmem:v43+s1+$0x0], $0xffff  }
0x12e: {  	v37 =	vsub.s32 v6, v20;
	v6 =	vor.u32 v58, v20;
	[tilespmem:v39+s12+$0x0] =	vst.idx.msk $0xffff, v11;
	v9 =	vld.idx.msk [tilespmem:v15+s1+$0x0], $0xffff  }
0x12f: {  	v11 =	vld [tilespmem:$0x1FFE0];
	[tilespmem:v38+s12+$0x0] =	vst.idx.msk $0xffff, v5;
	v5 =	vadd.s32 v37, v6  }
0x130: {  	[tilespmem:$0x1FE00] =	vst v5;
	v5 =	vld [tilespmem:$0x1FE10];
	_ =	sdelay $0x5  }
0x131: {  	[tilespmem:$0x1FDF0] =	vst v6  }
0x132: {  	[tilespmem:v18+s12+$0x0] =	vst.idx.msk $0xffff, v0  }
0x133: {  	[tilespmem:v5+s12+$0x0] =	vst.idx.msk $0xffff, v12  }
0x134: {  	v0 =	vld [tilespmem:$0x1FE20];
	_ =	sdelay $0x1  }
0x135: {  	v17 =	vadd.s32 v56, v43  }
0x136: {  	v13 =	vor.u32 v57, v23;
	_ =	sdelay $0x2  }
0x137: {  	v4 =	vor.u32 v45, v63;
	v26 =	vmov v42  }
0x138: {  	v40 =	vadd.s32 v22, v33;
	v1 =	vor.u32 v11, v26;
	[tilespmem:v17+s12+$0x0] =	vst.idx.msk $0xffff, v2  }
0x139: {  	v33 =	vmov v56;
	v7 =	vadd.s32 v56, v1;
	v56 =	vld.idx.msk [tilespmem:v13+s1+$0x0], $0xffff;
	[tilespmem:v0+s12+$0x0] =	vst.idx.msk $0xffff, v9  }
0x13a: {  	v29 =	vadd.s32 v41, v4;
	v42 =	vadd.s32 v24, v44;
	v25 =	vadd.s32 v50, v13;
	v9 =	vld [tilespmem:$0x1FE30]  }
0x13b: {  	v31 =	vadd.s32 v41, v30;
	v16 =	vor.u32 v53, v20;
	v39 =	vadd.s32 v41, v28;
	v15 =	vld.idx.msk [tilespmem:v3+s1+$0x0], $0xffff  }
0x13c: {  	v10 =	vadd.s32 v37, v3;
	v43 =	vadd.s32 v51, v36;
	v38 =	vmovc v28;
	v18 =	vmov v22;
	v3 =	vld.idx.msk [tilespmem:v4+s1+$0x0], $0xffff  }
0x13d: {  	v6 =	vor.u32 v11, v23;
	v11 =	vadd.s32 v37, v16;
	v13 =	vor.u32 v53, v14;
	v4 =	vld.idx.msk [tilespmem:v34+s1+$0x0], $0xffff  }
0x13e: {  	v5 =	vadd.s32 v50, v6;
	v12 =	vadd.s32 v22, v13;
	v2 =	vld.idx.msk [tilespmem:v36+s1+$0x0], $0xffff;
	[tilespmem:v40+s12+$0x0] =	vst.idx.msk $0xffff, v8  }
0x13f: {  	v8 =	vld.idx.msk [tilespmem:v1+s1+$0x0], $0xffff;
	[tilespmem:v25+s12+$0x0] =	vst.idx.msk $0xffff, v56;
	v0 =	vor.u32 v9, v49;
	v53 =	vor.u32 v9, v63  }
0x140: {  	s19 =	simm.s32 $0x6;
	v1 =	vld.idx.msk [tilespmem:v44+s1+$0x0], $0xffff;
	v9 =	vor.u32 v58, v26;
	v40 =	vadd.s32 v51, v0;
	v24 =	vadd.s32 v41, v53  }
.LBB2_3:
0x141: {  	v17 =	vld [tilespmem:$0x1FD90];
	_ =	sdelay $0x4  }
0x142: {  	[tilespmem:v10+s12+$0x0] =	vst.idx.msk $0xffff, v15  }
0x143: {  	v16 =	vld.idx.msk [tilespmem:v16+s1+$0x0], $0xffff;
	[tilespmem:v29+s12+$0x0] =	vst.idx.msk $0xffff, v3  }
0x144: {  	v34 =	vld.idx.msk [tilespmem:v30+s1+$0x0], $0xffff  }
0x145: {  	[tilespmem:v17+s12+$0x0] =	vst.idx.msk $0xffff, v4;
	v17 =	vld [tilespmem:$0x1FD20];
	_ =	sdelay $0x1  }
0x146: {  	v13 =	vld.idx.msk [tilespmem:v13+s1+$0x0], $0xffff;
	[tilespmem:v43+s12+$0x0] =	vst.idx.msk $0xffff, v2  }
0x147: {  	[tilespmem:v7+s12+$0x0] =	vst.idx.msk $0xffff, v8  }
0x148: {  	v15 =	vor.u32 v59, v14;
	v7 =	vld.idx.msk [tilespmem:v9+s1+$0x0], $0xffff  }
0x149: {  	v8 =	vadd.s32 v33, v9;
	v9 =	vor.u32 v17, v49;
	v28 =	vor.u32 v17, v63;
	v17 =	vld [tilespmem:$0x1FE60];
	_ =	sdelay $0x2  }
0x14a: {  	[tilespmem:v12+s12+$0x0] =	vst.idx.msk $0xffff, v13  }
0x14b: {  	v43 =	vmov v26;
	v13 =	vld.idx.msk [tilespmem:v15+s1+$0x0], $0xffff  }
0x14c: {  	v3 =	vadd.s32 v18, v15;
	v12 =	vor.u32 v17, v43;
	v15 =	vor.u32 v17, v23;
	v17 =	vld [tilespmem:$0x1FDC0]  }
0x14d: {  	v29 =	vor.u32 v59, v20;
	_ =	sdelay $0x1  }
0x14e: {  	v2 =	vld.idx.msk [tilespmem:v19+s1+$0x0], $0xffff  }
0x14f: {  	v0 =	vld.idx.msk [tilespmem:v0+s1+$0x0], $0xffff;
	[tilespmem:v42+s12+$0x0] =	vst.idx.msk $0xffff, v1  }
0x150: {  	[tilespmem:v11+s12+$0x0] =	vst.idx.msk $0xffff, v16  }
0x151: {  	v4 =	vadd.s32 v37, v29;
	v29 =	vld.idx.msk [tilespmem:v29+s1+$0x0], $0xffff;
	[tilespmem:v31+s12+$0x0] =	vst.idx.msk $0xffff, v34  }
0x152: {  	v36 =	vor.u32 v21, v20;
	[tilespmem:v8+s12+$0x0] =	vst.idx.msk $0xffff, v7;
	v26 =	vld.idx.msk [tilespmem:v38+s1+$0x0], $0xffff  }
0x153: {  	v11 =	vadd.s32 v33, v12;
	v12 =	vld.idx.msk [tilespmem:v12+s1+$0x0], $0xffff;
	[tilespmem:v17+s12+$0x0] =	vst.idx.msk $0xffff, v2  }
0x154: {  	v10 =	vadd.s32 v27, v48;
	v1 =	vld.idx.msk [tilespmem:v48+s1+$0x0], $0xffff  }
0x155: {  	[tilespmem:v40+s12+$0x0] =	vst.idx.msk $0xffff, v0;
	v17 =	vld [tilespmem:$0x1FD30]  }
0x156: {  	v6 =	vld.idx.msk [tilespmem:v6+s1+$0x0], $0xffff;
	[tilespmem:v4+s12+$0x0] =	vst.idx.msk $0xffff, v29  }
0x157: {  	v16 =	vor.u32 v21, v14;
	v34 =	vld.idx.msk [tilespmem:v36+s1+$0x0], $0xffff;
	[tilespmem:v39+s12+$0x0] =	vst.idx.msk $0xffff, v26  }
0x158: {  	[tilespmem:v3+s12+$0x0] =	vst.idx.msk $0xffff, v13;
	v3 =	vor.u32 v60, v43;
	v2 =	vadd.s32 v37, v36;
	v36 =	vld.idx.msk [tilespmem:v53+s1+$0x0], $0xffff  }
0x159: {  	[tilespmem:v10+s12+$0x0] =	vst.idx.msk $0xffff, v1;
	v1 =	vld [tilespmem:$0x1FD00]  }
0x15a: {  	v27 =	vadd.s32 v51, v9;
	v9 =	vld.idx.msk [tilespmem:v9+s1+$0x0], $0xffff;
	_ =	sdelay $0x1  }
0x15b: {  	v31 =	vadd.s32 v18, v16;
	v16 =	vld.idx.msk [tilespmem:v16+s1+$0x0], $0xffff;
	[tilespmem:v11+s12+$0x0] =	vst.idx.msk $0xffff, v12  }
0x15c: {  	v4 =	vadd.s32 v33, v3;
	v3 =	vld.idx.msk [tilespmem:v3+s1+$0x0], $0xffff;
	v7 =	vor.u32 v17, v49  }
0x15d: {  	v42 =	vor.u32 v32, v14;
	v40 =	vor.u32 v17, v63;
	v17 =	vld [tilespmem:$0x1FD10]  }
0x15e: {  	[tilespmem:v27+s12+$0x0] =	vst.idx.msk $0xffff, v9  }
0x15f: {  	v56 =	vmov v33;
	v33 =	vor.u32 v32, v20;
	[tilespmem:v5+s12+$0x0] =	vst.idx.msk $0xffff, v6  }
0x160: {  	[tilespmem:v31+s12+$0x0] =	vst.idx.msk $0xffff, v16;
	v5 =	vld.idx.msk [tilespmem:v1+s1+$0x0], $0xffff  }
0x161: {  	v12 =	vor.u32 v61, v43;
	v25 =	vadd.s32 v51, v7;
	v7 =	vld.idx.msk [tilespmem:v7+s1+$0x0], $0xffff  }
0x162: {  	v48 =	vmov v20;
	v26 =	vadd.s32 v18, v42;
	v20 =	vld.idx.msk [tilespmem:v42+s1+$0x0], $0xffff;
	[tilespmem:v4+s12+$0x0] =	vst.idx.msk $0xffff, v3  }
0x163: {  	v11 =	vld [tilespmem:$0x1FD40];
	[tilespmem:v2+s12+$0x0] =	vst.idx.msk $0xffff, v34  }
0x164: {  	v27 =	vld.idx.msk [tilespmem:v33+s1+$0x0], $0xffff;
	[tilespmem:v24+s12+$0x0] =	vst.idx.msk $0xffff, v36  }
0x165: {  	v8 =	vadd.s32 v41, v28;
	v10 =	vadd.s32 v37, v33;
	v28 =	vld.idx.msk [tilespmem:v28+s1+$0x0], $0xffff;
	[tilespmem:v17+s12+$0x0] =	vst.idx.msk $0xffff, v5  }
0x166: {  	v38 =	vor.u32 v35, v48;
	v5 =	vld.idx.msk [tilespmem:v12+s1+$0x0], $0xffff;
	[tilespmem:v25+s12+$0x0] =	vst.idx.msk $0xffff, v7  }
0x167: {  	[tilespmem:v26+s12+$0x0] =	vst.idx.msk $0xffff, v20;
	v20 =	vld [tilespmem:$0x1FE40];
	_ =	sdelay $0x1  }
0x168: {  	v39 =	vmov v14;
	v14 =	vld [tilespmem:$0x1FD50]  }
0x169: {  	v6 =	vor.u32 v11, v49;
	v3 =	vld.idx.msk [tilespmem:v15+s1+$0x0], $0xffff;
	[tilespmem:v10+s12+$0x0] =	vst.idx.msk $0xffff, v27  }
0x16a: {  	v0 =	vmovc v63;
	v29 =	vor.u32 v60, v23;
	v63 =	vmov v23;
	v23 =	vor.u32 v35, v39;
	v26 =	vld.idx.msk [tilespmem:v38+s1+$0x0], $0xffff  }
0x16b: {  	[tilespmem:v8+s12+$0x0] =	vst.idx.msk $0xffff, v28;
	v25 =	vor.u32 v20, v39;
	v28 =	vor.u32 v20, v48;
	v20 =	vld [tilespmem:$0x1FDF0]  }
0x16c: {  	v22 =	vmov v18  }
0x16d: {  	v30 =	vadd.s32 v50, v15;
	v4 =	vor.u32 v14, v49;
	v1 =	vmovc v51;
	v2 =	vadd.s32 v56, v12  }
0x16e: {  	v9 =	vadd.s32 v1, v6;
	v12 =	vor.u32 v14, v0;
	v14 =	vor.u32 v62, v43;
	v6 =	vld.idx.msk [tilespmem:v6+s1+$0x0], $0xffff  }
0x16f: {  	v19 =	vld.idx.msk [tilespmem:v23+s1+$0x0], $0xffff  }
0x170: {  	v51 =	vmovc v56;
	v56 =	vmov v22;
	v24 =	vadd.s32 v22, v23;
	v22 =	vmov v20;
	v20 =	vld [tilespmem:$0x1FE00];
	_ =	sdelay $0x1  }
0x171: {  	v13 =	vadd.s32 v41, v40;
	v34 =	vadd.s32 v37, v38;
	v40 =	vld.idx.msk [tilespmem:v40+s1+$0x0], $0xffff;
	[tilespmem:v2+s12+$0x0] =	vst.idx.msk $0xffff, v5  }
0x172: {  	v18 =	vor.u32 v61, v63;
	[tilespmem:v30+s12+$0x0] =	vst.idx.msk $0xffff, v3;
	v5 =	vld.idx.msk [tilespmem:v14+s1+$0x0], $0xffff  }
0x173: {  	v11 =	vor.u32 v11, v0;
	v10 =	vadd.s32 v51, v14;
	v2 =	vld.idx.msk [tilespmem:v29+s1+$0x0], $0xffff;
	[tilespmem:v9+s12+$0x0] =	vst.idx.msk $0xffff, v6  }
0x174: {  	v44 =	vadd.s32 v50, v29;
	v31 =	vadd.s32 v50, v18;
	[tilespmem:v24+s12+$0x0] =	vst.idx.msk $0xffff, v19;
	v3 =	vmov v20;
	v20 =	vld [tilespmem:$0x1FD60]  }
0x175: {  	v16 =	vadd.s32 v41, v11;
	v17 =	vmov v41;
	v7 =	vadd.s32 v1, v4;
	v4 =	vld.idx.msk [tilespmem:v4+s1+$0x0], $0xffff  }
0x176: {  	v41 =	vmov v50;
	v50 =	vmov v37;
	v14 =	vor.u32 v46, v43;
	[tilespmem:v34+s12+$0x0] =	vst.idx.msk $0xffff, v26;
	v24 =	vld.idx.msk [tilespmem:v25+s1+$0x0], $0xffff  }
0x177: {  	v42 =	vadd.s32 v50, v28;
	v28 =	vld.idx.msk [tilespmem:v28+s1+$0x0], $0xffff;
	[tilespmem:v13+s12+$0x0] =	vst.idx.msk $0xffff, v40  }
0x178: {  	v30 =	vor.u32 v52, v48;
	[tilespmem:v10+s12+$0x0] =	vst.idx.msk $0xffff, v5;
	v11 =	vld.idx.msk [tilespmem:v11+s1+$0x0], $0xffff  }
0x179: {  	v8 =	vadd.s32 v56, v25;
	[tilespmem:$0x1FD10] =	vst v3;
	v3 =	vor.u32 v20, v49;
	v9 =	vor.u32 v20, v0;
	v20 =	vld [tilespmem:$0x1FD70]  }
0x17a: {  	[tilespmem:v44+s12+$0x0] =	vst.idx.msk $0xffff, v2  }
0x17b: {  	v29 =	vor.u32 v52, v39;
	v10 =	vld.idx.msk [tilespmem:v14+s1+$0x0], $0xffff;
	[tilespmem:v7+s12+$0x0] =	vst.idx.msk $0xffff, v4  }
0x17c: {  	v25 =	vadd.s32 v51, v14;
	v2 =	vld.idx.msk [tilespmem:v18+s1+$0x0], $0xffff;
	[tilespmem:v42+s12+$0x0] =	vst.idx.msk $0xffff, v28  }
0x17d: {  	v15 =	vadd.s32 v17, v12;
	v33 =	vadd.s32 v50, v30;
	v30 =	vld.idx.msk [tilespmem:v30+s1+$0x0], $0xffff;
	[tilespmem:v16+s12+$0x0] =	vst.idx.msk $0xffff, v11  }
0x17e: {  	v23 =	vor.u32 v62, v63;
	[tilespmem:v8+s12+$0x0] =	vst.idx.msk $0xffff, v24;
	v12 =	vld.idx.msk [tilespmem:v12+s1+$0x0], $0xffff;
	v7 =	vor.u32 v20, v0  }
0x17f: {  	[tilespmem:$0x1FD00] =	vst v22;
	v6 =	vadd.s32 v1, v3;
	v3 =	vld.idx.msk [tilespmem:v3+s1+$0x0], $0xffff;
	v14 =	vadd.s32 v17, v7  }
0x180: {  	v13 =	vadd.s32 v56, v29;
	v8 =	vor.u32 v47, v43;
	[tilespmem:$0x1FCD0] =	vst v14;
	v14 =	vld.idx.msk [tilespmem:v29+s1+$0x0], $0xffff  }
0x181: {  	s17 =	sadd.s32 $0x20, s17;
	v24 =	vor.u32 v47, v63;
	v16 =	vor.u32 v55, v48;
	[tilespmem:v25+s12+$0x0] =	vst.idx.msk $0xffff, v10;
	v25 =	vld [tilespmem:$0x1FD80]  }
0x182: {  	v18 =	vadd.s32 v41, v24;
	v5 =	vor.u32 v20, v49;
	v20 =	vld [tilespmem:s17+$0x0];
	[tilespmem:v31+s12+$0x0] =	vst.idx.msk $0xffff, v2  }
0x183: {  	[tilespmem:$0x1FCE0] =	vst v18;
	v2 =	vld.idx.msk [tilespmem:v23+s1+$0x0], $0xffff;
	v29 =	vor.u32 v55, v39  }
0x184: {  	v27 =	vadd.s32 v41, v23;
	v23 =	vld [tilespmem:$0x1FDA0];
	[tilespmem:v33+s12+$0x0] =	vst.idx.msk $0xffff, v30  }
0x185: {  	v22 =	vadd.s32 v51, v8;
	v8 =	vld.idx.msk [tilespmem:v8+s1+$0x0], $0xffff;
	[tilespmem:v6+s12+$0x0] =	vst.idx.msk $0xffff, v3  }
0x186: {  	v40 =	vadd.s32 v50, v16;
	v16 =	vld.idx.msk [tilespmem:v16+s1+$0x0], $0xffff;
	v42 =	vor.u32 v25, v0;
	[tilespmem:v13+s12+$0x0] =	vst.idx.msk $0xffff, v14  }
0x187: {  	v4 =	vadd.s32 v1, v5;
	v6 =	vor.u32 v45, v43;
	v5 =	vld.idx.msk [tilespmem:v5+s1+$0x0], $0xffff;
	v13 =	vadd.s32 v17, v42  }
0x188: {  	v11 =	vadd.s32 v56, v29;
	[tilespmem:$0x1FD90] =	vst v13;
	v13 =	vld.idx.msk [tilespmem:v29+s1+$0x0], $0xffff  }
0x189: {  	[tilespmem:v15+s12+$0x0] =	vst.idx.msk $0xffff, v12;
	v18 =	vor.u32 v23, v0;
	v10 =	vor.u32 v25, v49;
	v25 =	vld [tilespmem:$0x1FE50]  }
0x18a: {  	[tilespmem:$0x1FCF0] =	vst v18;
	v14 =	vld [tilespmem:s17+$0xFFFFFFF0]  }
0x18b: {  	[tilespmem:v22+s12+$0x0] =	vst.idx.msk $0xffff, v8;
	v22 =	vld [tilespmem:$0x1FDB0]  }
0x18c: {  	v26 =	vor.u32 v46, v63;
	v18 =	vadd.s32 v51, v6;
	v6 =	vld.idx.msk [tilespmem:v6+s1+$0x0], $0xffff;
	[tilespmem:v4+s12+$0x0] =	vst.idx.msk $0xffff, v5  }
0x18d: {  	v34 =	vmov v60;
	v60 =	vmov v21;
	[tilespmem:v11+s12+$0x0] =	vst.idx.msk $0xffff, v13;
	v13 =	vld [tilespmem:$0x1FFF0]  }
0x18e: {  	v21 =	vor.u32 v45, v63;
	v44 =	vmov v45;
	v53 =	vadd.s32 v17, v9;
	v15 =	vld [tilespmem:$0x1FFC0];
	[tilespmem:v27+s12+$0x0] =	vst.idx.msk $0xffff, v2  }
0x18f: {  	v45 =	vmovc v47;
	v47 =	vmovc v46;
	v46 =	vmov v62;
	v62 =	vmov v35;
	v2 =	vld.idx.msk [tilespmem:v9+s1+$0x0], $0xffff;
	v35 =	vor.u32 v25, v48  }
0x190: {  	v36 =	vmovc v61;
	v61 =	vmov v32;
	v32 =	vor.u32 v23, v49;
	v23 =	vor.u32 v25, v39  }
0x191: {  	v37 =	vadd.s32 v41, v26;
	v3 =	vadd.s32 v1, v10;
	v8 =	vld.idx.msk [tilespmem:v26+s1+$0x0], $0xffff;
	v19 =	vor.u32 v22, v0  }
0x192: {  	[tilespmem:v40+s12+$0x0] =	vst.idx.msk $0xffff, v16;
	v5 =	vld.idx.msk [tilespmem:v10+s1+$0x0], $0xffff;
	v10 =	vadd.s32 v17, v19;
	v0 =	vor.u32 v13, v43  }
0x193: {  	v28 =	vor.u32 v15, v63;
	[tilespmem:$0x1FDC0] =	vst v10  }
0x194: {  	s18 =	sadd.s32 $0x400, s18;
	v9 =	vor.u32 v22, v49;
	v49 =	vor.u32 v15, v43;
	v15 =	vld.idx.msk [tilespmem:v35+s1+$0x0], $0xffff;
	[tilespmem:v53+s12+$0x0] =	vst.idx.msk $0xffff, v2  }
0x195: {  	v20 =	vshll.u32 v20, $0x5;
	v10 =	vor.u32 s18, v54;
	v11 =	vld.idx.msk [tilespmem:v23+s1+$0x0], $0xffff;
	[tilespmem:v18+s12+$0x0] =	vst.idx.msk $0xffff, v6  }
0x196: {  	[tilespmem:v37+s12+$0x0] =	vst.idx.msk $0xffff, v8;
	v37 =	vsub.s32 v10, v20  }
0x197: {  	v38 =	vadd.s32 v51, v0;
	v0 =	vld.idx.msk [tilespmem:v0+s1+$0x0], $0xffff;
	[tilespmem:v3+s12+$0x0] =	vst.idx.msk $0xffff, v5;
	v3 =	vor.u32 v58, v20  }
0x198: {  	[tilespmem:$0x1FDF0] =	vst v3;
	v3 =	vadd.s32 v37, v3  }
0x199: {  	[tilespmem:$0x1FE00] =	vst v3;
	v3 =	vld [tilespmem:$0x1FFE0];
	_ =	sdelay $0x1  }
0x19a: {  	s20 =	sadd.s32 $0xFFFFFE00, s18;
	v25 =	vlaneseq.u32;
	v33 =	vadd.s32 v56, v23  }
0x19b: {  	v12 =	vadd.s32 v50, v35;
	v14 =	vshll.u32 v14, $0x5;
	v2 =	vor.u32 s20, v54  }
0x19c: {  	v35 =	vor.u32 v25, v14;
	v22 =	vsub.s32 v2, v14;
	v2 =	vor.u32 v25, v20  }
0x19d: {  	v25 =	vmovc v58;
	v58 =	vmov v55;
	v55 =	vor.u32 v3, v39;
	v6 =	vor.u32 v3, v48;
	v3 =	vld [tilespmem:$0x1FCD0]  }
0x19e: {  	v30 =	vor.u32 v13, v63;
	v13 =	vor.u32 v57, v39;
	_ =	sdelay $0x1  }
0x19f: {  	v16 =	vor.u32 v57, v48;
	v8 =	vld.idx.msk [tilespmem:v7+s1+$0x0], $0xffff  }
0x1a0: {  	v18 =	vld.idx.msk [tilespmem:v24+s1+$0x0], $0xffff;
	[tilespmem:v33+s12+$0x0] =	vst.idx.msk $0xffff, v11  }
0x1a1: {  	v4 =	vadd.s32 v1, v9;
	v9 =	vld.idx.msk [tilespmem:v9+s1+$0x0], $0xffff  }
0x1a2: {  	v53 =	vld.idx.msk [tilespmem:v13+s1+$0x0], $0xffff  }
0x1a3: {  	v24 =	vadd.s32 v22, v35;
	v40 =	vadd.s32 v56, v13;
	[tilespmem:v12+s12+$0x0] =	vst.idx.msk $0xffff, v15;
	v35 =	vld.idx.msk [tilespmem:v35+s1+$0x0], $0xffff  }
0x1a4: {  	v33 =	vmov v56;
	v7 =	vadd.s32 v56, v55;
	v56 =	vld.idx.msk [tilespmem:v16+s1+$0x0], $0xffff;
	[tilespmem:v3+s12+$0x0] =	vst.idx.msk $0xffff, v8  }
0x1a5: {  	v15 =	vld.idx.msk [tilespmem:v2+s1+$0x0], $0xffff  }
0x1a6: {  	v10 =	vadd.s32 v37, v2;
	[tilespmem:v38+s12+$0x0] =	vst.idx.msk $0xffff, v0;
	v2 =	vld [tilespmem:$0x1FCE0]  }
0x1a7: {  	[tilespmem:v4+s12+$0x0] =	vst.idx.msk $0xffff, v9;
	v9 =	vld [tilespmem:$0x1FE30];
	_ =	sdelay $0x1  }
0x1a8: {  	v27 =	vmov v52;
	v3 =	vld [tilespmem:$0x1FFD0]  }
0x1a9: {  	v52 =	vmovc v57;
	v29 =	vadd.s32 v41, v21;
	v26 =	vmovc v39;
	v57 =	vmov v54;
	v54 =	vadd.s32 v50, v16  }
0x1aa: {  	v23 =	vmovc v43;
	v43 =	vadd.s32 v51, v49;
	v31 =	vadd.s32 v41, v30;
	v39 =	vadd.s32 v41, v28  }
0x1ab: {  	v5 =	vadd.s32 v50, v6;
	[tilespmem:v40+s12+$0x0] =	vst.idx.msk $0xffff, v53;
	v0 =	vor.u32 v9, v23  }
0x1ac: {  	s19 =	sadd.s32 $0x2, s19;
	v38 =	vmovc v28;
	v53 =	vor.u32 v9, v63;
	v9 =	vor.u32 v25, v26;
	v40 =	vadd.s32 v51, v0  }
0x1ad: {  	p1 =	slt.u32 s19, $0x3E;
	v13 =	vor.u32 v3, v14;
	v16 =	vor.u32 v3, v20;
	[tilespmem:v2+s12+$0x0] =	vst.idx.msk $0xffff, v18;
	v2 =	vld.idx.msk [tilespmem:v49+s1+$0x0], $0xffff  }
.Ltmp0:
0x1ae: {  	v12 =	vadd.s32 v22, v13;
	v11 =	vadd.s32 v37, v16;
	v18 =	vmovc v22;
	v49 =	vmovc v23;
	v23 =	vmov v48;
	v48 =	vld [tilespmem:$0x1FCF0];
	(pc) =	sbr.rel @p1 .LBB2_3-.Ltmp0, $4  }
0x1af: {  	[tilespmem:v24+s12+$0x0] =	vst.idx.msk $0xffff, v35;
	v35 =	vmovc v62;
	v62 =	vmov v46;
	v46 =	vmov v47;
	v47 =	vmov v45;
	v3 =	vld.idx.msk [tilespmem:v21+s1+$0x0], $0xffff  }
0x1b0: {  	v45 =	vmovc v44;
	v24 =	vadd.s32 v41, v53;
	v21 =	vmov v60;
	v4 =	vld.idx.msk [tilespmem:v42+s1+$0x0], $0xffff;
	v42 =	vadd.s32 v1, v32  }
0x1b1: {  	v60 =	vmovc v34;
	v8 =	vld.idx.msk [tilespmem:v55+s1+$0x0], $0xffff;
	v55 =	vmov v58;
	v58 =	vmov v25;
	[tilespmem:v54+s12+$0x0] =	vst.idx.msk $0xffff, v56;
	v54 =	vmov v57  }
0x1b2: {  	v57 =	vmovc v52;
	v52 =	vmovc v27;
	v27 =	vmov v17;
	v1 =	vld.idx.msk [tilespmem:v32+s1+$0x0], $0xffff;
	v32 =	vmov v61;
	v61 =	vmov v36  }
0x1b3: {  	_ =	sdelay $0x3  }
0x1b4: {  	v13 =	vld.idx.msk [tilespmem:v13+s1+$0x0], $0xffff;
	[tilespmem:v10+s12+$0x0] =	vst.idx.msk $0xffff, v15  }
0x1b5: {  	v10 =	vor.u32 v59, v14;
	v15 =	vld.idx.msk [tilespmem:v16+s1+$0x0], $0xffff  }
0x1b6: {  	v34 =	vor.u32 v59, v20;
	_ =	sdelay $0x2  }
0x1b7: {  	[tilespmem:v12+s12+$0x0] =	vst.idx.msk $0xffff, v13  }
0x1b8: {  	v36 =	vadd.s32 v18, v10;
	v10 =	vld.idx.msk [tilespmem:v10+s1+$0x0], $0xffff;
	[tilespmem:v11+s12+$0x0] =	vst.idx.msk $0xffff, v15  }
0x1b9: {  	v44 =	vor.u32 v21, v14;
	v11 =	vadd.s32 v37, v34;
	v15 =	vld.idx.msk [tilespmem:v34+s1+$0x0], $0xffff  }
0x1ba: {  	v56 =	vor.u32 v21, v20;
	_ =	sdelay $0x2  }
0x1bb: {  	[tilespmem:v36+s12+$0x0] =	vst.idx.msk $0xffff, v10  }
0x1bc: {  	v10 =	vadd.s32 v18, v44;
	v12 =	vld.idx.msk [tilespmem:v44+s1+$0x0], $0xffff;
	[tilespmem:v11+s12+$0x0] =	vst.idx.msk $0xffff, v15  }
0x1bd: {  	v25 =	vor.u32 v32, v14;
	v11 =	vadd.s32 v37, v56;
	v15 =	vld.idx.msk [tilespmem:v56+s1+$0x0], $0xffff  }
0x1be: {  	v34 =	vor.u32 v32, v20;
	_ =	sdelay $0x2  }
0x1bf: {  	[tilespmem:v10+s12+$0x0] =	vst.idx.msk $0xffff, v12  }
0x1c0: {  	v10 =	vadd.s32 v18, v25;
	v12 =	vld.idx.msk [tilespmem:v25+s1+$0x0], $0xffff;
	[tilespmem:v11+s12+$0x0] =	vst.idx.msk $0xffff, v15  }
0x1c1: {  	v11 =	vadd.s32 v37, v34;
	v15 =	vld.idx.msk [tilespmem:v34+s1+$0x0], $0xffff;
	_ =	sdelay $0x3  }
0x1c2: {  	[tilespmem:v10+s12+$0x0] =	vst.idx.msk $0xffff, v12  }
0x1c3: {  	v36 =	vor.u32 v35, v14;
	[tilespmem:v11+s12+$0x0] =	vst.idx.msk $0xffff, v15  }
0x1c4: {  	v44 =	vor.u32 v35, v20;
	v17 =	vld [tilespmem:$0x1FE40];
	_ =	sdelay $0x3  }
0x1c5: {  	v10 =	vadd.s32 v18, v36;
	v12 =	vld.idx.msk [tilespmem:v36+s1+$0x0], $0xffff  }
0x1c6: {  	v11 =	vadd.s32 v37, v44;
	v15 =	vld.idx.msk [tilespmem:v44+s1+$0x0], $0xffff;
	v56 =	vor.u32 v17, v14  }
0x1c7: {  	v25 =	vor.u32 v17, v20;
	_ =	sdelay $0x2  }
0x1c8: {  	[tilespmem:v10+s12+$0x0] =	vst.idx.msk $0xffff, v12  }
0x1c9: {  	[tilespmem:v11+s12+$0x0] =	vst.idx.msk $0xffff, v15;
	v10 =	vadd.s32 v18, v56;
	v12 =	vld.idx.msk [tilespmem:v56+s1+$0x0], $0xffff  }
0x1ca: {  	v34 =	vor.u32 v52, v14;
	v11 =	vadd.s32 v37, v25;
	v15 =	vld.idx.msk [tilespmem:v25+s1+$0x0], $0xffff  }
0x1cb: {  	v36 =	vor.u32 v52, v20;
	_ =	sdelay $0x2  }
0x1cc: {  	[tilespmem:v10+s12+$0x0] =	vst.idx.msk $0xffff, v12  }
0x1cd: {  	v10 =	vadd.s32 v18, v34;
	[tilespmem:v11+s12+$0x0] =	vst.idx.msk $0xffff, v15;
	v12 =	vld.idx.msk [tilespmem:v34+s1+$0x0], $0xffff  }
0x1ce: {  	v11 =	vadd.s32 v37, v36;
	v15 =	vld.idx.msk [tilespmem:v36+s1+$0x0], $0xffff;
	_ =	sdelay $0x3  }
0x1cf: {  	[tilespmem:v10+s12+$0x0] =	vst.idx.msk $0xffff, v12  }
0x1d0: {  	v44 =	vor.u32 v55, v14;
	[tilespmem:v11+s12+$0x0] =	vst.idx.msk $0xffff, v15  }
0x1d1: {  	v56 =	vor.u32 v55, v20;
	v25 =	vld [tilespmem:$0x1FE50];
	_ =	sdelay $0x3  }
0x1d2: {  	v10 =	vadd.s32 v18, v44;
	v12 =	vld.idx.msk [tilespmem:v44+s1+$0x0], $0xffff  }
0x1d3: {  	v11 =	vadd.s32 v37, v56;
	v15 =	vld.idx.msk [tilespmem:v56+s1+$0x0], $0xffff;
	v34 =	vor.u32 v25, v14  }
0x1d4: {  	v36 =	vor.u32 v25, v20;
	_ =	sdelay $0x2  }
0x1d5: {  	[tilespmem:v10+s12+$0x0] =	vst.idx.msk $0xffff, v12  }
0x1d6: {  	[tilespmem:v11+s12+$0x0] =	vst.idx.msk $0xffff, v15;
	v10 =	vadd.s32 v18, v34;
	v12 =	vld.idx.msk [tilespmem:v34+s1+$0x0], $0xffff  }
0x1d7: {  	v11 =	vadd.s32 v37, v36;
	v15 =	vld.idx.msk [tilespmem:v36+s1+$0x0], $0xffff;
	_ =	sdelay $0x1  }
0x1d8: {  	v44 =	vor.u32 v57, v14  }
0x1d9: {  	v56 =	vor.u32 v57, v20  }
0x1da: {  	[tilespmem:v10+s12+$0x0] =	vst.idx.msk $0xffff, v12  }
0x1db: {  	v6 =	vld.idx.msk [tilespmem:v6+s1+$0x0], $0xffff;
	[tilespmem:v11+s12+$0x0] =	vst.idx.msk $0xffff, v15  }
0x1dc: {  	v28 =	vld [tilespmem:$0x1FFE0]  }
0x1dd: {  	v10 =	vadd.s32 v18, v44;
	v12 =	vld.idx.msk [tilespmem:v44+s1+$0x0], $0xffff  }
0x1de: {  	v11 =	vadd.s32 v37, v56;
	v15 =	vld.idx.msk [tilespmem:v56+s1+$0x0], $0xffff;
	_ =	sdelay $0x1  }
0x1df: {  	[tilespmem:v7+s12+$0x0] =	vst.idx.msk $0xffff, v8  }
0x1e0: {  	[tilespmem:v5+s12+$0x0] =	vst.idx.msk $0xffff, v6;
	v25 =	vor.u32 v28, v14  }
0x1e1: {  	v34 =	vor.u32 v28, v20;
	[tilespmem:v10+s12+$0x0] =	vst.idx.msk $0xffff, v12  }
0x1e2: {  	[tilespmem:v11+s12+$0x0] =	vst.idx.msk $0xffff, v15  }
0x1e3: {  	v56 =	vld [tilespmem:$0x1FE60];
	_ =	sdelay $0x1  }
0x1e4: {  	v10 =	vadd.s32 v18, v25;
	v12 =	vld.idx.msk [tilespmem:v25+s1+$0x0], $0xffff  }
0x1e5: {  	v11 =	vadd.s32 v37, v34;
	v15 =	vld.idx.msk [tilespmem:v34+s1+$0x0], $0xffff  }
0x1e6: {  	v6 =	vadd.s32 v33, v9;
	v44 =	vld.idx.msk [tilespmem:v9+s1+$0x0], $0xffff  }
0x1e7: {  	v7 =	vor.u32 v56, v26  }
0x1e8: {  	v8 =	vld [tilespmem:$0x1FD00]  }
0x1e9: {  	[tilespmem:v10+s12+$0x0] =	vst.idx.msk $0xffff, v12  }
0x1ea: {  	v36 =	vor.u32 v58, v14;
	[tilespmem:v11+s12+$0x0] =	vst.idx.msk $0xffff, v15  }
0x1eb: {  	v34 =	vld [tilespmem:$0x1FDF0];
	[tilespmem:v6+s12+$0x0] =	vst.idx.msk $0xffff, v44  }
0x1ec: {  	v6 =	vld.idx.msk [tilespmem:v7+s1+$0x0], $0xffff  }
0x1ed: {  	v44 =	vadd.s32 v33, v7;
	v7 =	vld [tilespmem:$0x1FD10];
	_ =	sdelay $0x1  }
0x1ee: {  	v25 =	vadd.s32 v18, v36;
	v10 =	vld.idx.msk [tilespmem:v36+s1+$0x0], $0xffff  }
0x1ef: {  	v8 =	vld.idx.msk [tilespmem:v8+s1+$0x0], $0xffff;
	_ =	sdelay $0x3  }
0x1f0: {  	[tilespmem:v25+s12+$0x0] =	vst.idx.msk $0xffff, v10  }
0x1f1: {  	[tilespmem:v7+s12+$0x0] =	vst.idx.msk $0xffff, v8  }
0x1f2: {  	v9 =	vor.u32 v56, v23;
	v11 =	vor.u32 v56, v14;
	v36 =	vor.u32 v56, v20;
	v56 =	vld [tilespmem:$0x1FE00];
	_ =	sdelay $0x2  }
0x1f3: {  	v13 =	vld.idx.msk [tilespmem:v34+s1+$0x0], $0xffff;
	_ =	sdelay $0x2  }
0x1f4: {  	v7 =	vadd.s32 v50, v9;
	v9 =	vld.idx.msk [tilespmem:v9+s1+$0x0], $0xffff  }
0x1f5: {  	v10 =	vor.u32 v60, v23  }
0x1f6: {  	v12 =	vadd.s32 v18, v11;
	v11 =	vld.idx.msk [tilespmem:v11+s1+$0x0], $0xffff;
	v8 =	vor.u32 v60, v26;
	[tilespmem:v56+s12+$0x0] =	vst.idx.msk $0xffff, v13  }
0x1f7: {  	v25 =	vadd.s32 v37, v36;
	v34 =	vor.u32 v60, v14;
	v15 =	vld.idx.msk [tilespmem:v36+s1+$0x0], $0xffff  }
0x1f8: {  	v36 =	vor.u32 v60, v20  }
0x1f9: {  	[tilespmem:v7+s12+$0x0] =	vst.idx.msk $0xffff, v9  }
0x1fa: {  	[tilespmem:v44+s12+$0x0] =	vst.idx.msk $0xffff, v6;
	v7 =	vadd.s32 v50, v10;
	v9 =	vld.idx.msk [tilespmem:v10+s1+$0x0], $0xffff  }
0x1fb: {  	v44 =	vadd.s32 v33, v8;
	[tilespmem:v12+s12+$0x0] =	vst.idx.msk $0xffff, v11;
	v6 =	vld.idx.msk [tilespmem:v8+s1+$0x0], $0xffff;
	v10 =	vor.u32 v61, v23  }
0x1fc: {  	v11 =	vadd.s32 v18, v34;
	v12 =	vld.idx.msk [tilespmem:v34+s1+$0x0], $0xffff;
	v8 =	vor.u32 v61, v26;
	[tilespmem:v25+s12+$0x0] =	vst.idx.msk $0xffff, v15  }
0x1fd: {  	v56 =	vadd.s32 v37, v36;
	v25 =	vor.u32 v61, v14;
	v34 =	vld.idx.msk [tilespmem:v36+s1+$0x0], $0xffff  }
0x1fe: {  	v36 =	vor.u32 v61, v20  }
0x1ff: {  	[tilespmem:v7+s12+$0x0] =	vst.idx.msk $0xffff, v9  }
0x200: {  	[tilespmem:v44+s12+$0x0] =	vst.idx.msk $0xffff, v6;
	v7 =	vadd.s32 v50, v10;
	v9 =	vld.idx.msk [tilespmem:v10+s1+$0x0], $0xffff  }
0x201: {  	[tilespmem:v11+s12+$0x0] =	vst.idx.msk $0xffff, v12;
	v44 =	vadd.s32 v33, v8;
	v6 =	vld.idx.msk [tilespmem:v8+s1+$0x0], $0xffff;
	v10 =	vor.u32 v62, v23  }
0x202: {  	v8 =	vor.u32 v62, v26;
	v11 =	vadd.s32 v18, v25;
	v12 =	vld.idx.msk [tilespmem:v25+s1+$0x0], $0xffff;
	[tilespmem:v56+s12+$0x0] =	vst.idx.msk $0xffff, v34  }
0x203: {  	v25 =	vor.u32 v62, v14;
	v56 =	vadd.s32 v37, v36;
	v16 =	vld.idx.msk [tilespmem:v36+s1+$0x0], $0xffff  }
0x204: {  	v34 =	vor.u32 v62, v20  }
0x205: {  	[tilespmem:v7+s12+$0x0] =	vst.idx.msk $0xffff, v9  }
0x206: {  	[tilespmem:v44+s12+$0x0] =	vst.idx.msk $0xffff, v6;
	v7 =	vadd.s32 v50, v10;
	v9 =	vld.idx.msk [tilespmem:v10+s1+$0x0], $0xffff  }
0x207: {  	v6 =	vld.idx.msk [tilespmem:v8+s1+$0x0], $0xffff;
	v10 =	vor.u32 v46, v23;
	v36 =	vadd.s32 v33, v8;
	[tilespmem:v11+s12+$0x0] =	vst.idx.msk $0xffff, v12  }
0x208: {  	v8 =	vor.u32 v46, v26;
	v11 =	vadd.s32 v18, v25;
	v12 =	vld.idx.msk [tilespmem:v25+s1+$0x0], $0xffff;
	[tilespmem:v56+s12+$0x0] =	vst.idx.msk $0xffff, v16  }
0x209: {  	v44 =	vadd.s32 v37, v34;
	v56 =	vor.u32 v46, v14;
	v16 =	vld.idx.msk [tilespmem:v34+s1+$0x0], $0xffff  }
0x20a: {  	v25 =	vor.u32 v46, v20  }
0x20b: {  	[tilespmem:v7+s12+$0x0] =	vst.idx.msk $0xffff, v9  }
0x20c: {  	v7 =	vadd.s32 v50, v10;
	v9 =	vld.idx.msk [tilespmem:v10+s1+$0x0], $0xffff;
	[tilespmem:v36+s12+$0x0] =	vst.idx.msk $0xffff, v6  }
0x20d: {  	v34 =	vadd.s32 v33, v8;
	v6 =	vld.idx.msk [tilespmem:v8+s1+$0x0], $0xffff;
	[tilespmem:v11+s12+$0x0] =	vst.idx.msk $0xffff, v12  }
0x20e: {  	v11 =	vadd.s32 v18, v56;
	v12 =	vld.idx.msk [tilespmem:v56+s1+$0x0], $0xffff;
	[tilespmem:v44+s12+$0x0] =	vst.idx.msk $0xffff, v16  }
0x20f: {  	v36 =	vadd.s32 v37, v25;
	v8 =	vor.u32 v47, v26;
	v16 =	vld.idx.msk [tilespmem:v25+s1+$0x0], $0xffff  }
0x210: {  	[tilespmem:v29+s12+$0x0] =	vst.idx.msk $0xffff, v3  }
0x211: {  	v10 =	vor.u32 v47, v23;
	[tilespmem:v7+s12+$0x0] =	vst.idx.msk $0xffff, v9  }
0x212: {  	v44 =	vor.u32 v47, v14;
	[tilespmem:v34+s12+$0x0] =	vst.idx.msk $0xffff, v6  }
0x213: {  	[tilespmem:v11+s12+$0x0] =	vst.idx.msk $0xffff, v12  }
0x214: {  	v56 =	vor.u32 v47, v20;
	v6 =	vld.idx.msk [tilespmem:v8+s1+$0x0], $0xffff;
	[tilespmem:v36+s12+$0x0] =	vst.idx.msk $0xffff, v16  }
0x215: {  	v25 =	vadd.s32 v33, v8;
	v16 =	vld [tilespmem:$0x1FD90]  }
0x216: {  	v7 =	vadd.s32 v50, v10;
	v9 =	vld.idx.msk [tilespmem:v10+s1+$0x0], $0xffff;
	v8 =	vor.u32 v45, v26  }
0x217: {  	v10 =	vor.u32 v45, v23;
	v11 =	vadd.s32 v18, v44;
	v12 =	vld.idx.msk [tilespmem:v44+s1+$0x0], $0xffff  }
0x218: {  	v36 =	vor.u32 v45, v14  }
0x219: {  	v34 =	vadd.s32 v37, v56;
	v44 =	vld.idx.msk [tilespmem:v56+s1+$0x0], $0xffff  }
0x21a: {  	v56 =	vor.u32 v45, v20;
	[tilespmem:v25+s12+$0x0] =	vst.idx.msk $0xffff, v6;
	v25 =	vld.idx.msk [tilespmem:v30+s1+$0x0], $0xffff  }
0x21b: {  	[tilespmem:v7+s12+$0x0] =	vst.idx.msk $0xffff, v9;
	v7 =	vld.idx.msk [tilespmem:v8+s1+$0x0], $0xffff  }
0x21c: {  	v6 =	vadd.s32 v33, v8;
	v8 =	vadd.s32 v50, v10;
	v10 =	vld.idx.msk [tilespmem:v10+s1+$0x0], $0xffff;
	[tilespmem:v11+s12+$0x0] =	vst.idx.msk $0xffff, v12  }
0x21d: {  	v12 =	vld.idx.msk [tilespmem:v36+s1+$0x0], $0xffff;
	[tilespmem:v16+s12+$0x0] =	vst.idx.msk $0xffff, v4  }
0x21e: {  	v11 =	vadd.s32 v18, v36;
	v17 =	vld [tilespmem:$0x1FFF0];
	[tilespmem:v34+s12+$0x0] =	vst.idx.msk $0xffff, v44  }
0x21f: {  	v36 =	vadd.s32 v37, v56;
	[tilespmem:v43+s12+$0x0] =	vst.idx.msk $0xffff, v2;
	v4 =	vld.idx.msk [tilespmem:v56+s1+$0x0], $0xffff  }
0x220: {  	[tilespmem:v31+s12+$0x0] =	vst.idx.msk $0xffff, v25  }
0x221: {  	[tilespmem:v6+s12+$0x0] =	vst.idx.msk $0xffff, v7  }
0x222: {  	[tilespmem:v8+s12+$0x0] =	vst.idx.msk $0xffff, v10  }
0x223: {  	[tilespmem:v11+s12+$0x0] =	vst.idx.msk $0xffff, v12  }
0x224: {  	v30 =	vld [tilespmem:$0x1FFC0];
	v9 =	vor.u32 v17, v26;
	[tilespmem:v36+s12+$0x0] =	vst.idx.msk $0xffff, v4  }
0x225: {  	v34 =	vor.u32 v17, v23;
	v11 =	vld [tilespmem:$0x1FDC0]  }
0x226: {  	v43 =	vor.u32 v17, v14;
	_ =	sdelay $0x1  }
0x227: {  	v44 =	vld.idx.msk [tilespmem:v19+s1+$0x0], $0xffff  }
0x228: {  	v56 =	vor.u32 v17, v20;
	v6 =	vadd.s32 v33, v9;
	v7 =	vld.idx.msk [tilespmem:v9+s1+$0x0], $0xffff  }
0x229: {  	v9 =	vadd.s32 v50, v34;
	v3 =	vld.idx.msk [tilespmem:v34+s1+$0x0], $0xffff  }
0x22a: {  	v8 =	vor.u32 v30, v26;
	v25 =	vadd.s32 v18, v43;
	v10 =	vld.idx.msk [tilespmem:v43+s1+$0x0], $0xffff  }
0x22b: {  	[tilespmem:v42+s12+$0x0] =	vst.idx.msk $0xffff, v1  }
0x22c: {  	v0 =	vld.idx.msk [tilespmem:v0+s1+$0x0], $0xffff;
	[tilespmem:v11+s12+$0x0] =	vst.idx.msk $0xffff, v44  }
0x22d: {  	v36 =	vld.idx.msk [tilespmem:v56+s1+$0x0], $0xffff;
	v11 =	vadd.s32 v37, v56;
	[tilespmem:v6+s12+$0x0] =	vst.idx.msk $0xffff, v7  }
0x22e: {  	v6 =	vld.idx.msk [tilespmem:v38+s1+$0x0], $0xffff;
	[tilespmem:v9+s12+$0x0] =	vst.idx.msk $0xffff, v3  }
0x22f: {  	v2 =	vor.u32 v30, v23;
	v44 =	vadd.s32 v33, v8;
	[tilespmem:v25+s12+$0x0] =	vst.idx.msk $0xffff, v10;
	v7 =	vld.idx.msk [tilespmem:v8+s1+$0x0], $0xffff  }
0x230: {  	v16 =	vld [tilespmem:$0x1FE30]  }
0x231: {  	v34 =	vor.u32 v30, v14;
	[tilespmem:v40+s12+$0x0] =	vst.idx.msk $0xffff, v0  }
0x232: {  	[tilespmem:v11+s12+$0x0] =	vst.idx.msk $0xffff, v36  }
0x233: {  	v43 =	vor.u32 v30, v20;
	[tilespmem:v39+s12+$0x0] =	vst.idx.msk $0xffff, v6  }
0x234: {  	v56 =	vadd.s32 v50, v2;
	v2 =	vld.idx.msk [tilespmem:v2+s1+$0x0], $0xffff;
	[tilespmem:v44+s12+$0x0] =	vst.idx.msk $0xffff, v7  }
0x235: {  	v8 =	vor.u32 v16, v26;
	v36 =	vld [tilespmem:$0x1FD20]  }
0x236: {  	v10 =	vadd.s32 v18, v34;
	v5 =	vld.idx.msk [tilespmem:v34+s1+$0x0], $0xffff  }
0x237: {  	v34 =	vld.idx.msk [tilespmem:v48+s1+$0x0], $0xffff;
	v6 =	vadd.s32 v27, v48;
	v9 =	vor.u32 v16, v23  }
0x238: {  	v25 =	vadd.s32 v37, v43;
	v11 =	vor.u32 v16, v14;
	v1 =	vld.idx.msk [tilespmem:v43+s1+$0x0], $0xffff  }
0x239: {  	v13 =	vor.u32 v16, v20;
	v7 =	vld.idx.msk [tilespmem:v53+s1+$0x0], $0xffff  }
0x23a: {  	[tilespmem:v56+s12+$0x0] =	vst.idx.msk $0xffff, v2;
	v40 =	vadd.s32 v33, v8;
	v8 =	vld.idx.msk [tilespmem:v8+s1+$0x0], $0xffff;
	v38 =	vor.u32 v36, v49  }
0x23b: {  	[tilespmem:v10+s12+$0x0] =	vst.idx.msk $0xffff, v5  }
0x23c: {  	v42 =	vadd.s32 v50, v9;
	[tilespmem:v6+s12+$0x0] =	vst.idx.msk $0xffff, v34;
	v9 =	vld.idx.msk [tilespmem:v9+s1+$0x0], $0xffff;
	v39 =	vor.u32 v36, v63  }
0x23d: {  	v44 =	vadd.s32 v18, v11;
	[tilespmem:v25+s12+$0x0] =	vst.idx.msk $0xffff, v1;
	v11 =	vld.idx.msk [tilespmem:v11+s1+$0x0], $0xffff;
	v10 =	vor.u32 v36, v26  }
0x23e: {  	v6 =	vadd.s32 v37, v13;
	[tilespmem:v24+s12+$0x0] =	vst.idx.msk $0xffff, v7;
	v13 =	vld.idx.msk [tilespmem:v13+s1+$0x0], $0xffff  }
0x23f: {  	[tilespmem:v40+s12+$0x0] =	vst.idx.msk $0xffff, v8;
	v3 =	vld.idx.msk [tilespmem:v38+s1+$0x0], $0xffff  }
0x240: {  	v7 =	vadd.s32 v51, v38;
	v16 =	vld [tilespmem:$0x1FD30]  }
0x241: {  	v8 =	vadd.s32 v41, v39;
	v2 =	vld.idx.msk [tilespmem:v39+s1+$0x0], $0xffff  }
0x242: {  	v43 =	vor.u32 v36, v23;
	[tilespmem:v42+s12+$0x0] =	vst.idx.msk $0xffff, v9;
	v9 =	vadd.s32 v33, v10;
	v10 =	vld.idx.msk [tilespmem:v10+s1+$0x0], $0xffff  }
0x243: {  	[tilespmem:v44+s12+$0x0] =	vst.idx.msk $0xffff, v11  }
0x244: {  	v48 =	vor.u32 v36, v14;
	[tilespmem:v6+s12+$0x0] =	vst.idx.msk $0xffff, v13  }
0x245: {  	v15 =	vor.u32 v36, v20;
	[tilespmem:v7+s12+$0x0] =	vst.idx.msk $0xffff, v3  }
0x246: {  	v53 =	vor.u32 v16, v49;
	[tilespmem:v8+s12+$0x0] =	vst.idx.msk $0xffff, v2  }
0x247: {  	v0 =	vld.idx.msk [tilespmem:v43+s1+$0x0], $0xffff;
	v56 =	vor.u32 v16, v63;
	[tilespmem:v9+s12+$0x0] =	vst.idx.msk $0xffff, v10  }
0x248: {  	v11 =	vadd.s32 v50, v43;
	v24 =	vor.u32 v16, v26;
	v38 =	vld [tilespmem:$0x1FD40]  }
0x249: {  	v25 =	vadd.s32 v18, v48;
	v12 =	vld.idx.msk [tilespmem:v48+s1+$0x0], $0xffff  }
0x24a: {  	v6 =	vor.u32 v16, v23;
	v7 =	vadd.s32 v37, v15;
	v15 =	vld.idx.msk [tilespmem:v15+s1+$0x0], $0xffff  }
0x24b: {  	v34 =	vor.u32 v16, v14;
	v36 =	vadd.s32 v51, v53;
	v4 =	vld.idx.msk [tilespmem:v53+s1+$0x0], $0xffff  }
0x24c: {  	v8 =	vor.u32 v16, v20;
	v9 =	vadd.s32 v41, v56;
	v5 =	vld.idx.msk [tilespmem:v56+s1+$0x0], $0xffff  }
0x24d: {  	[tilespmem:v11+s12+$0x0] =	vst.idx.msk $0xffff, v0;
	v11 =	vadd.s32 v33, v24;
	v1 =	vld.idx.msk [tilespmem:v24+s1+$0x0], $0xffff;
	v10 =	vor.u32 v38, v49  }
0x24e: {  	[tilespmem:v25+s12+$0x0] =	vst.idx.msk $0xffff, v12  }
0x24f: {  	v40 =	vadd.s32 v50, v6;
	v6 =	vld.idx.msk [tilespmem:v6+s1+$0x0], $0xffff;
	[tilespmem:v7+s12+$0x0] =	vst.idx.msk $0xffff, v15;
	v39 =	vor.u32 v38, v63  }
0x250: {  	v3 =	vld.idx.msk [tilespmem:v34+s1+$0x0], $0xffff;
	v42 =	vor.u32 v38, v26;
	[tilespmem:v36+s12+$0x0] =	vst.idx.msk $0xffff, v4  }
0x251: {  	v43 =	vadd.s32 v18, v34;
	v44 =	vadd.s32 v37, v8;
	v8 =	vld.idx.msk [tilespmem:v8+s1+$0x0], $0xffff;
	[tilespmem:v9+s12+$0x0] =	vst.idx.msk $0xffff, v5  }
0x252: {  	[tilespmem:v11+s12+$0x0] =	vst.idx.msk $0xffff, v1;
	v9 =	vld.idx.msk [tilespmem:v10+s1+$0x0], $0xffff  }
0x253: {  	v53 =	vadd.s32 v51, v10;
	v24 =	vld [tilespmem:$0x1FD50]  }
0x254: {  	v56 =	vadd.s32 v41, v39;
	v0 =	vld.idx.msk [tilespmem:v39+s1+$0x0], $0xffff  }
0x255: {  	v7 =	vor.u32 v38, v23;
	v25 =	vadd.s32 v33, v42;
	[tilespmem:v40+s12+$0x0] =	vst.idx.msk $0xffff, v6;
	v13 =	vld.idx.msk [tilespmem:v42+s1+$0x0], $0xffff  }
0x256: {  	[tilespmem:v43+s12+$0x0] =	vst.idx.msk $0xffff, v3  }
0x257: {  	v48 =	vor.u32 v38, v14;
	[tilespmem:v44+s12+$0x0] =	vst.idx.msk $0xffff, v8  }
0x258: {  	v10 =	vor.u32 v38, v20;
	[tilespmem:v53+s12+$0x0] =	vst.idx.msk $0xffff, v9  }
0x259: {  	v11 =	vor.u32 v24, v49;
	[tilespmem:v56+s12+$0x0] =	vst.idx.msk $0xffff, v0  }
0x25a: {  	v34 =	vadd.s32 v50, v7;
	v7 =	vld.idx.msk [tilespmem:v7+s1+$0x0], $0xffff;
	v6 =	vor.u32 v24, v63;
	[tilespmem:v25+s12+$0x0] =	vst.idx.msk $0xffff, v13  }
0x25b: {  	v36 =	vor.u32 v24, v26;
	v44 =	vld [tilespmem:$0x1FD60]  }
0x25c: {  	v8 =	vadd.s32 v18, v48;
	v4 =	vld.idx.msk [tilespmem:v48+s1+$0x0], $0xffff  }
0x25d: {  	v39 =	vadd.s32 v37, v10;
	v38 =	vor.u32 v24, v23;
	v10 =	vld.idx.msk [tilespmem:v10+s1+$0x0], $0xffff  }
0x25e: {  	v9 =	vor.u32 v24, v14;
	v40 =	vadd.s32 v51, v11;
	v42 =	vld.idx.msk [tilespmem:v11+s1+$0x0], $0xffff  }
0x25f: {  	v43 =	vadd.s32 v41, v6;
	v11 =	vor.u32 v24, v20;
	v6 =	vld.idx.msk [tilespmem:v6+s1+$0x0], $0xffff  }
0x260: {  	[tilespmem:v34+s12+$0x0] =	vst.idx.msk $0xffff, v7;
	v7 =	vadd.s32 v33, v36;
	v15 =	vld.idx.msk [tilespmem:v36+s1+$0x0], $0xffff;
	v48 =	vor.u32 v44, v49  }
0x261: {  	[tilespmem:v8+s12+$0x0] =	vst.idx.msk $0xffff, v4  }
0x262: {  	v56 =	vadd.s32 v50, v38;
	v2 =	vld.idx.msk [tilespmem:v38+s1+$0x0], $0xffff;
	[tilespmem:v39+s12+$0x0] =	vst.idx.msk $0xffff, v10;
	v53 =	vor.u32 v44, v63  }
0x263: {  	v10 =	vadd.s32 v18, v9;
	v9 =	vld.idx.msk [tilespmem:v9+s1+$0x0], $0xffff;
	v8 =	vor.u32 v44, v26;
	[tilespmem:v40+s12+$0x0] =	vst.idx.msk $0xffff, v42  }
0x264: {  	v25 =	vadd.s32 v37, v11;
	v11 =	vld.idx.msk [tilespmem:v11+s1+$0x0], $0xffff;
	[tilespmem:v43+s12+$0x0] =	vst.idx.msk $0xffff, v6  }
0x265: {  	[tilespmem:v7+s12+$0x0] =	vst.idx.msk $0xffff, v15;
	v36 =	vld.idx.msk [tilespmem:v48+s1+$0x0], $0xffff  }
0x266: {  	v6 =	vadd.s32 v51, v48;
	v39 =	vld [tilespmem:$0x1FD70]  }
0x267: {  	v7 =	vadd.s32 v41, v53;
	v3 =	vld.idx.msk [tilespmem:v53+s1+$0x0], $0xffff  }
0x268: {  	v24 =	vor.u32 v44, v23;
	v43 =	vadd.s32 v33, v8;
	[tilespmem:v56+s12+$0x0] =	vst.idx.msk $0xffff, v2;
	v8 =	vld.idx.msk [tilespmem:v8+s1+$0x0], $0xffff  }
0x269: {  	[tilespmem:v10+s12+$0x0] =	vst.idx.msk $0xffff, v9  }
0x26a: {  	v34 =	vor.u32 v44, v14;
	[tilespmem:v25+s12+$0x0] =	vst.idx.msk $0xffff, v11  }
0x26b: {  	v38 =	vor.u32 v44, v20;
	[tilespmem:v6+s12+$0x0] =	vst.idx.msk $0xffff, v36  }
0x26c: {  	v40 =	vor.u32 v39, v49;
	[tilespmem:v7+s12+$0x0] =	vst.idx.msk $0xffff, v3  }
0x26d: {  	v5 =	vld.idx.msk [tilespmem:v24+s1+$0x0], $0xffff;
	v42 =	vor.u32 v39, v63;
	[tilespmem:v43+s12+$0x0] =	vst.idx.msk $0xffff, v8  }
0x26e: {  	v9 =	vadd.s32 v50, v24;
	v10 =	vor.u32 v39, v26;
	v25 =	vld [tilespmem:$0x1FD80]  }
0x26f: {  	v1 =	vld.idx.msk [tilespmem:v34+s1+$0x0], $0xffff;
	v11 =	vadd.s32 v18, v34  }
0x270: {  	v44 =	vor.u32 v39, v23;
	v6 =	vadd.s32 v37, v38;
	v13 =	vld.idx.msk [tilespmem:v38+s1+$0x0], $0xffff  }
0x271: {  	v48 =	vor.u32 v39, v14;
	v53 =	vadd.s32 v51, v40;
	v7 =	vld.idx.msk [tilespmem:v40+s1+$0x0], $0xffff  }
0x272: {  	v56 =	vor.u32 v39, v20;
	v24 =	vadd.s32 v41, v42;
	v2 =	vld.idx.msk [tilespmem:v42+s1+$0x0], $0xffff  }
0x273: {  	[tilespmem:v9+s12+$0x0] =	vst.idx.msk $0xffff, v5;
	v9 =	vadd.s32 v33, v10;
	v10 =	vld.idx.msk [tilespmem:v10+s1+$0x0], $0xffff;
	v8 =	vor.u32 v25, v49  }
0x274: {  	[tilespmem:v11+s12+$0x0] =	vst.idx.msk $0xffff, v1  }
0x275: {  	v0 =	vld.idx.msk [tilespmem:v44+s1+$0x0], $0xffff;
	[tilespmem:v6+s12+$0x0] =	vst.idx.msk $0xffff, v13;
	v34 =	vor.u32 v25, v63  }
0x276: {  	v36 =	vadd.s32 v50, v44;
	v12 =	vld.idx.msk [tilespmem:v48+s1+$0x0], $0xffff;
	v11 =	vor.u32 v25, v26;
	[tilespmem:v53+s12+$0x0] =	vst.idx.msk $0xffff, v7  }
0x277: {  	v38 =	vadd.s32 v18, v48;
	v15 =	vld.idx.msk [tilespmem:v56+s1+$0x0], $0xffff;
	[tilespmem:v24+s12+$0x0] =	vst.idx.msk $0xffff, v2  }
0x278: {  	v39 =	vadd.s32 v37, v56;
	[tilespmem:v9+s12+$0x0] =	vst.idx.msk $0xffff, v10;
	v42 =	vld.idx.msk [tilespmem:v8+s1+$0x0], $0xffff  }
0x279: {  	v40 =	vadd.s32 v51, v8;
	v43 =	vld [tilespmem:$0x1FDB0]  }
0x27a: {  	v9 =	vadd.s32 v41, v34;
	v5 =	vld.idx.msk [tilespmem:v34+s1+$0x0], $0xffff  }
0x27b: {  	v48 =	vadd.s32 v33, v11;
	[tilespmem:v36+s12+$0x0] =	vst.idx.msk $0xffff, v0;
	v11 =	vld.idx.msk [tilespmem:v11+s1+$0x0], $0xffff  }
0x27c: {  	[tilespmem:v38+s12+$0x0] =	vst.idx.msk $0xffff, v12  }
0x27d: {  	v6 =	vor.u32 v25, v23;
	[tilespmem:v39+s12+$0x0] =	vst.idx.msk $0xffff, v15  }
0x27e: {  	v7 =	vor.u32 v25, v14;
	[tilespmem:v40+s12+$0x0] =	vst.idx.msk $0xffff, v42  }
0x27f: {  	v8 =	vor.u32 v25, v20;
	[tilespmem:v9+s12+$0x0] =	vst.idx.msk $0xffff, v5  }
0x280: {  	v10 =	vor.u32 v43, v49;
	[tilespmem:v48+s12+$0x0] =	vst.idx.msk $0xffff, v11  }
0x281: {  	v44 =	vor.u32 v43, v63;
	v39 =	vld [tilespmem:$0x1FDA0]  }
0x282: {  	v53 =	vadd.s32 v50, v6;
	v6 =	vld.idx.msk [tilespmem:v6+s1+$0x0], $0xffff;
	v56 =	vor.u32 v43, v26  }
0x283: {  	v25 =	vadd.s32 v18, v7;
	v7 =	vld.idx.msk [tilespmem:v7+s1+$0x0], $0xffff;
	v24 =	vor.u32 v43, v23  }
0x284: {  	v34 =	vadd.s32 v37, v8;
	v36 =	vor.u32 v43, v14;
	v8 =	vld.idx.msk [tilespmem:v8+s1+$0x0], $0xffff  }
0x285: {  	v38 =	vadd.s32 v51, v10;
	v9 =	vld.idx.msk [tilespmem:v10+s1+$0x0], $0xffff;
	v10 =	vor.u32 v43, v20  }
0x286: {  	v11 =	vadd.s32 v41, v44;
	v0 =	vld.idx.msk [tilespmem:v44+s1+$0x0], $0xffff;
	v40 =	vor.u32 v39, v49  }
0x287: {  	[tilespmem:v53+s12+$0x0] =	vst.idx.msk $0xffff, v6;
	v42 =	vadd.s32 v33, v56;
	v13 =	vld.idx.msk [tilespmem:v56+s1+$0x0], $0xffff;
	v6 =	vor.u32 v39, v63  }
0x288: {  	[tilespmem:v25+s12+$0x0] =	vst.idx.msk $0xffff, v7;
	v43 =	vadd.s32 v50, v24;
	v3 =	vld.idx.msk [tilespmem:v24+s1+$0x0], $0xffff;
	v7 =	vor.u32 v39, v26  }
0x289: {  	[tilespmem:v34+s12+$0x0] =	vst.idx.msk $0xffff, v8;
	v8 =	vadd.s32 v18, v36;
	v4 =	vld.idx.msk [tilespmem:v36+s1+$0x0], $0xffff;
	v44 =	vor.u32 v39, v23  }
0x28a: {  	v48 =	vor.u32 v39, v14;
	[tilespmem:v38+s12+$0x0] =	vst.idx.msk $0xffff, v9;
	v9 =	vadd.s32 v37, v10;
	v10 =	vld.idx.msk [tilespmem:v10+s1+$0x0], $0xffff  }
0x28b: {  	v49 =	vor.u32 v39, v20;
	[tilespmem:v11+s12+$0x0] =	vst.idx.msk $0xffff, v0;
	v11 =	vadd.s32 v51, v40;
	v1 =	vld.idx.msk [tilespmem:v40+s1+$0x0], $0xffff  }
0x28c: {  	[tilespmem:v42+s12+$0x0] =	vst.idx.msk $0xffff, v13;
	v51 =	vadd.s32 v41, v6;
	v6 =	vld.idx.msk [tilespmem:v6+s1+$0x0], $0xffff  }
0x28d: {  	v53 =	vadd.s32 v33, v7;
	[tilespmem:v43+s12+$0x0] =	vst.idx.msk $0xffff, v3;
	v7 =	vld.idx.msk [tilespmem:v7+s1+$0x0], $0xffff  }
0x28e: {  	v56 =	vadd.s32 v50, v44;
	[tilespmem:v8+s12+$0x0] =	vst.idx.msk $0xffff, v4;
	v2 =	vld.idx.msk [tilespmem:v44+s1+$0x0], $0xffff  }
0x28f: {  	v8 =	vadd.s32 v18, v48;
	v5 =	vld.idx.msk [tilespmem:v48+s1+$0x0], $0xffff;
	[tilespmem:v9+s12+$0x0] =	vst.idx.msk $0xffff, v10  }
0x290: {  	s17 =	sshll.u32 s15, $0xF;
	s15 =	sadd.s32 $0x1, s15;
	v63 =	vadd.s32 v37, v49;
	[tilespmem:v11+s12+$0x0] =	vst.idx.msk $0xffff, v1;
	v0 =	vld.idx.msk [tilespmem:v49+s1+$0x0], $0xffff  }
0x291: {  	p1 =	sne.s32 s15, $0x64;
	[tilespmem:v51+s12+$0x0] =	vst.idx.msk $0xffff, v6  }
.Ltmp1:
0x292: {  	[tilespmem:v53+s12+$0x0] =	vst.idx.msk $0xffff, v7;
	(pc) =	sbr.rel @p1 .LBB2_2-.Ltmp1, $4  }
0x293: {  	s17 =	sadd.s32 s7, s17;
	[tilespmem:v56+s12+$0x0] =	vst.idx.msk $0xffff, v2  }
0x294: {  	s18 =	sshll.u32 s16, $0xF;
	s31 =	sadd.s32 $0x1, s16;
	s17 =	sshrl.u32 s17, $0x3;
	[tilespmem:v8+s12+$0x0] =	vst.idx.msk $0xffff, v5  }
0x295: {  	p0 =	por !p0, !p0;
	s18 =	sor.u32 $0x800, s18;
	s17 =	sadd.s32 s0, s17;
	[tilespmem:v63+s12+$0x0] =	vst.idx.msk $0xffff, v0  }
0x296: {  	v8 =	vmov v17;
	[hbm4b:s17+s1] =	stream.linear.scatter [tilespmem:s18], [sflag:s31], $0x8000, $0x38;
	v20 =	vld [tilespmem:$0x1FFD0]  }
0x297: {  	s14 =	sadd.s32 $0x1, s14  }
0x298: {  	_ =	swait.ge [sflag:s10], $0x8000;
	p0 =	sne.s32 s14, s8  }
.Ltmp2:
0x299: {  	[sflag:s10] =	ssyncset.done $0x0;
	(pc) =	sbr.rel @p0 .LBB2_1-.Ltmp2, $4  }
0x29a: {  	[sflag:s10] =	ssyncadd.s32 $0xFFFF8000  }
0x29b: {  	_ =	swait.ge [sflag:s13], $0x8000  }
0x29c: {  	[sflag:s13] =	ssyncset.done $0x0  }
0x29d: {  	[sflag:s13] =	ssyncadd.s32 $0xFFFF8000  }
0x29e: {  	_ =	sfence.sel $0x180000  }
0x29f: {  	[bflag:$0x0] =	sbarrier.arrive $0xFFFF  }
0x2a0: {  	p0 =	sne.s32 s2, $0x0;
	_ =	strace $0x90000047  }
0x2a1: {  	s0 =	sadd.s32 @!p0 $0x100000, s3;
	[bflag:$0x2] =	sbarrier.arrive $0xFFFF  }
0x2a2: {  	[sflag:s0] =	ssyncadd.tile.s32 @!p0 $0x1;
	_ =	shalt  }
.Lfunc_end2:
_tile_overlayer_lowered:
.L_overlay_start_2:
0x2a3: {  	(tag) =	ssettag $0x2  }
0x2a4: {  	s0 =	rddreg [dreg:$0x0];
	s2 =	stileid.u32  }
0x2a5: {  	s1 =	rddreg [dreg:$0x1];
	p0 =	sne.s32 s2, $0x0  }
0x2a6: {  	s3 =	rddreg [dreg:$0x2];
	[bflag:$0x3] =	sbarrier.arrive $0xFFFF;
	s2 =	simm.s32 @!p0 $0x1C03  }
0x2a7: {  	[timem:s3], [sflag:s2] =	dma.local @!p0 [hbm:s0], s1  }
0x2a8: {  	s0 =	simm.s32 @!p0 $0x3  }
0x2a9: {  	_ =	swait.ge @!p0 [sflag:s0], s1  }
0x2aa: {  	s1 =	ssub.s32 @!p0 $0x0, s1;
	[sflag:s0] =	ssyncset.done @!p0 $0x0  }
0x2ab: {  	[sflag:s0] =	ssyncadd.s32 @!p0 s1  }
0x2ac: {  	[bflag:$0x3] =	sbarrier.arrive $0xFFFF  }
0x2ad: {  	_ =	shalt  }

// kernel: sparse-core-data-format-call.cloned.1.call-start
scs
called_computation_lowered:
.L_overlay_start_0:
0x0: {  	s2 =	sld [smem:$0x3FD9]  }
0x1: {  	s3 =	sld [smem:$0x3FFE];
	_ =	sdelay $0x1  }
0x2: {  	s1 =	srdreg.scid  }
0x3: {  	s0 =	sand.u32 $0x1, s1  }
0x4: {  	s18 =	sshll.u32 s0, $0xA;
	s2 =	sadd.s32 s3, s2  }
0x5: {  	s2 =	sadd.s32 s2, s18  }
0x6: {  	[smem:$0x3FC6] =	sst s2  }
0x7: {  	_ = 	snop  }
0x8: {  	s2 =	sld [smem:$0x3FD0];
	(tm) =	ssettm $0x1  }
0x9: {  	s19 =	sld [smem:$0x3FFB];
	_ =	sdelay $0x3  }
0xa: {  	_ =	strace s19  }
0xb: {  	s3 =	sld [smem:$0x3FFC];
	_ =	sdelay $0x3  }
0xc: {  	_ =	strace s3  }
0xd: {  	s3 =	sld [smem:$0x3FFD];
	_ =	sdelay $0x3  }
0xe: {  	_ =	strace s3  }
0xf: {  	_ =	strace $0x8FFFFFFF  }
0x10: {  	s20 =	sld [smem:$0x3FDB];
	_ =	sdelay $0x1  }
0x11: {  	s4 =	simm.s32 $_scs_section_size  }
0x12: {  	s5 =	simm.s32 $_size__tile_overlayer_lowered;
	s6 =	simm.s32 $_tile_overlayer_lowered  }
0x13: {  	s23 =	simm.s32 $0x1BFF;
	s22 =	sshll.u32 s6, $0x1;
	s3 =	sadd.s32 s4, s20  }
0x14: {  	s7 =	simm.s32 $0x0;
	s21 =	sshll.u32 s5, $0x1;
	s5 =	sadd.s32 s22, s3  }
0x15: {  	[timem:s7], [sflag:s23] =	dma.local [hbm:s5], s21  }
0x16: {  	_ =	swait.ge [sflag:s23], s21  }
0x17: {  	s4 =	ssub.s32 $0x0, s21;
	[sflag:s23] =	ssyncset.done $0x0  }
0x18: {  	[sflag:s23] =	ssyncadd.s32 s4;
	_ =	sdelay $0x1  }
0x19: {  	s24 =	simm.s32 $0x1B8B  }
0x1a: {  	_ =	swait.ge [sflag:s24], $0x1  }
0x1b: {  	[sflag:s24] =	ssyncset.done $0x0  }
0x1c: {  	s26 =	simm.s32 $0x1B8E;
	s25 =	sld [smem:$0x3FFE];
	[sflag:s24] =	ssyncadd.s32 $0xFFFFFFFF  }
0x1d: {  	s27 =	simm.s32 $execute0_lowered;
	[smem:$0x3FD2] =	sst s26  }
0x1e: {  	s5 =	sshll.u32 s27, $0x1;
	_ =	strace $0x80000049;
	[dreg:$0x1] =	wrdreg $0xFFFFFFFF  }
0x1f: {  	s28 =	simm.s32 $_size_execute0_lowered;
	s3 =	sadd.s32 s3, s5;
	[dreg:$0x0] =	wrdreg $0x0  }
0x20: {  	s5 =	sshll.u32 s28, $0x1;
	[dreg:$0x2] =	wrdreg s3  }
0x21: {  	[dreg:$0x3] =	wrdreg s5  }
0x22: {  	[dreg:$0x4] =	wrdreg $0xC0  }
0x23: {  	_ =	task [dreg:s7], $0x5FFFF  }
0x24: {  	[dreg:$0x1] =	wrdreg $0xFFFFFFFF  }
0x25: {  	[dreg:$0x0] =	wrdreg $0x60  }
0x26: {  	[dreg:$0x2] =	wrdreg s25  }
0x27: {  	[dreg:$0x3] =	wrdreg s2  }
0x28: {  	[dreg:$0x4] =	wrdreg $0x9  }
0x29: {  	_ =	task.clear_ibuf [dreg:s7], $0x5FFFF;
	_ =	strace $0x90000049  }
0x2a: {  	s29 =	simm.s32 $0x9;
	_ =	strace $0x8000004B  }
0x2b: {  	_ =	swait.ge [sflag:s29], $0x1  }
0x2c: {  	[sflag:s29] =	ssyncadd.s32 $0xFFFFFFFF  }
0x2d: {  	_ =	strace $0x9000004B  }
0x2e: {  	_ =	sfence  }
0x2f: {  	s30 =	sld [smem:$0x0];
	_ =	sdelay $0x2  }
0x30: {  	s31 =	sshll.u32 s1, $0xD;
	s1 =	sshrl.u32 s1, $0x2  }
0x31: {  	s3 =	sand.u32 $0x4000, s31;
	s1 =	sadd.s32 s1, s30  }
0x32: {  	s0 =	sor.u32 s3, s0;
	s1 =	sshll.u32 s1, $0x11  }
0x33: {  	s0 =	sor.u32 s1, s0  }
0x34: {  	s0 =	sadd.s32 $0x8F2B, s0  }
0x35: {  	[sflag:s0] =	ssyncadd.remote.s32 $0x1  }
0x36: {  	_ =	sfence.sel $0xFFFF  }
0x37: {  	[dreg:$0x0] =	wrdreg $0xFFFFFFFF;
	(pc) =	sbr.abs _section_cstart, $3  }
0x38: {  	[dreg:$0x1] =	wrdreg $0xFFFFFFFF  }
0x39: {  	_ =	task.clear_ibuf [dreg:s7], $0x2FFFF;
	_ =	strace $0x9FFFFFFF  }
0x3a: {  	(tm) =	ssettm $0x7FFFFFFF  }
0x3b: {  	_ =	shalt  }
tec
execute0_lowered:
.L_overlay_start_1:
0x0: {  	(tag) =	ssettag $0x1  }
0x1: {  	s0 =	srdreg.scid  }
0x2: {  	s1 =	sshll.u32 s0, $0x4  }
0x3: {  	s0 =	stileid.u32;
	s1 =	sand.u32 $0x10, s1  }
0x4: {  	s1 =	sor.u32 s0, s1  }
0x5: {  	s6 =	rddreg [dreg:$0x0];
	s4 =	simm.s32 $0x1;
	s2 =	sshll.u32 s1, $0x7  }
0x6: {  	s7 =	simm.s32 $0x2;
	s12 =	simm.s32 $0x0;
	s1 =	ssub.s32 $0x4000, s2  }
0x7: {  	s8 =	simm.s32 $0x20000;
	s13 =	simm.s32 $0x0;
	s3 =	sand.u32 $0xF80, s1  }
0x8: {  	s9 =	simm.s32 $0x0;
	s5 =	sshrl.u32 s1, $0xC;
	p0 =	sne.s32 s3, $0x0  }
.Ltmp0:
0x9: {  	s1 =	rddreg [dreg:$0x2];
	s4 =	simm.s32 @!p0 $0x0;
	(pc) =	sbr.rel .LBB1_1-.Ltmp0, $4  }
0xa: {  	s11 =	simm.s32 $0x0;
	s3 =	rddreg [dreg:$0x1];
	s5 =	sadd.s32 s4, s5  }
0xb: {  	_ =	strace $0x8000004A;
	s4 =	simm.s32 $0x1;
	s5 =	smul.u32 $0xC8, s5  }
0xc: {  	s6 =	sadd.s32 $0x800, s6;
	s10 =	smov.u32 s2;
	[sflag:s4] =	ssyncpa.u1 $0x0  }
0xd: {  	p0 =	por $0x0, $0x0;
	[sflag:s7] =	ssyncpa.u1 $0x0;
	s7 =	sor.u32 $0x1, s5  }
.LBB1_4:
0xe: {  	s16 =	sshll.u32 s13, $0x3;
	s17 =	sand.u32 $0x78, s13  }
0xf: {  	s30 =	sand.u32 $0xF800, s13;
	s12 =	sshll.u32 s12, $0x10;
	s16 =	sand.u32 $0x3C00, s16  }
0x10: {  	s31 =	sand.u32 $0x7, s13;
	s16 =	sor.u32 s17, s16;
	s17 =	sadd.s32 s3, s30  }
0x11: {  	s13 =	sshll.u32 s31, $0x12;
	s16 =	sshrl.u32 s16, $0x3;
	s12 =	sadd.s32 s12, s17  }
0x12: {  	[tilespmem:s15+$0x0 ss:$0x81] =	vst.msk $0xffff, v0;
	s13 =	sor.u32 $0x400, s13;
	s12 =	sadd.s32 s16, s12  }
0x13: {  	[hbm4b:s12+s13] =	stream.strided.scatter [tilespmem:s14], [sflag:$0x2], $0x1000, s8, s13, $0x20;
	[tilespmem:$0x4040] =	vst v63  }
.LBB1_5:
0x14: {  	s14 =	sadd.s32 $0x1, s9  }
0x15: {  	s12 =	sadd.s32 $0x1000, s10;
	s16 =	smov.u32 s10;
	p2 =	sgt.s32 s14, $0xC7  }
0x16: {  	s16 =	smov.u32 @p2 s12  }
0x17: {  	s14 =	simm.s32 @p2 $0x0;
	p2 =	sgt.s32 s16, $0x3FFF  }
0x18: {  	s16 =	smov.u32 @p2 s2;
	p2 =	sne.s32 s11, s7  }
.Ltmp1:
0x19: {  	p1 =	slt.u32 s11, $0x2;
	(pc) =	sbr.rel @!p2 .LBB1_6-.Ltmp1, $4  }
0x1a: {  	s15 =	simm.s32 @!p1 $0x2  }
0x1b: {  	s13 =	smov.u32 s10;
	p0 =	por !p0, !p0;
	_ =	swait.ge @!p1 [sflag:s15], $0x1000  }
0x1c: {  	s12 =	smov.u32 s9;
	[sflag:s15] =	ssyncset.done @!p1 $0x0;
	s9 =	smov.u32 s14  }
0x1d: {  	s11 =	sadd.s32 $0x1, s11;
	[sflag:s15] =	ssyncadd.s32 @!p1 $0xFFFFF000;
	s10 =	smov.u32 s16  }
.LBB1_1:
0x1e: {  	p1 =	sge.u32 s11, s5  }
0x1f: {  	s14 =	sand.u32 @!p1 $0x1FFFFFF, s9  }
0x20: {  	s15 =	smulhi.u32 @!p1 $0x147AE15, s14;
	_ =	sdelay $0x1  }
0x21: {  	s15 =	smul.u32 @!p1 $0xC8, s15  }
0x22: {  	s16 =	sxor.u32 @!p1 $0xFFFFFFFF, s11;
	s17 =	smul.u32 @!p1 $0xC80, s10  }
0x23: {  	s31 =	sadd.s32 $0xFFFFFFFF, s11;
	s16 =	sshll.u32 @!p1 s16, $0xC;
	s14 =	ssub.s32 @!p1 s14, s15  }
0x24: {  	s15 =	sand.u32 @!p1 $0x1000, s16;
	s16 =	sadd.s32 @!p1 s6, s17;
	s14 =	sshll.u32 @!p1 s14, $0x4  }
0x25: {  	s17 =	simm.s32 @!p1 $0x6400;
	s14 =	sadd.s32 @!p1 s14, s16;
	s16 =	simm.s32 @!p1 $0x20  }
0x26: {  	[tilespmem:s15], [sflag:$0x1] =	stream.strided.gather @!p1 [hbm4b:s14+s16], $0x1000, s17, s16, $0x38;
	[tilespmem:$0x4040] =	vst v63  }
0x27: {  	p1 =	sge.u32 s31, s5  }
.Ltmp2:
0x28: {  	_ = 	snop;
	(pc) =	sbr.rel @p1 .LBB1_5-.Ltmp2, $1  }
0x29: {  	_ =	sdelay $0x3  }
0x2a: {  	s14 =	simm.s32 $0x1  }
0x2b: {  	_ =	swait.ge [sflag:s4], $0x1000;
	s14 =	simm.s32 @!p0 $0x0  }
0x2c: {  	[sflag:s4] =	ssyncset.done $0x0;
	s15 =	sshll.u32 s14, $0xC  }
0x2d: {  	[sflag:s4] =	ssyncadd.s32 $0xFFFFF000;
	s18 =	sor.u32 $0x10, s15  }
0x2e: {  	s14 =	smul.u32 $0x4080, s14;
	v1 =	vld [tilespmem:s18+$0x0]  }
0x2f: {  	s30 =	sand.u32 $0x1, s11;
	v0 =	vld [tilespmem:s18+$0xFFFFFFF0]  }
0x30: {  	s15 =	smul.u32 $0x4080, s30;
	s14 =	sshrl.u32 s14, $0x2  }
0x31: {  	s16 =	sor.u32 $0x2000, s14  }
0x32: {  	s31 =	sshrl.u32 s15, $0x2;
	s15 =	sadd.s32 $0x0, s16  }
0x33: {  	s17 =	simm.s32 $0x4;
	s18 =	sadd.s32 $0x20, s18;
	s14 =	sor.u32 $0x2000, s31;
	[tilespmem:s15+$0x810 ss:$0x81] =	vst.msk $0xffff, v1  }
.LBB1_3:
0x34: {  	v1 =	vld [tilespmem:s18+$0x0];
	p1 =	sne.s32 s17, $0x1FC;
	[tilespmem:s15+$0x0 ss:$0x81] =	vst.msk $0xffff, v0;
	s15 =	smov.u32 s17;
	s17 =	sadd.s32 $0x4, s17  }
.Ltmp3:
0x35: {  	v0 =	vld [tilespmem:s18+$0xFFFFFFF0];
	(pc) =	sbr.rel @p1 .LBB1_3-.Ltmp3, $4  }
0x36: {  	_ = 	snop  }
0x37: {  	s15 =	sshra.s32 s15, $0x2  }
0x38: {  	s15 =	sadd.s32 s15, s16  }
0x39: {  	s18 =	sadd.s32 $0x20, s18;
	[tilespmem:s15+$0x810 ss:$0x81] =	vst.msk $0xffff, v1  }
.Ltmp4:
0x3a: {  	_ = 	snop;
	(pc) =	sbr.rel .LBB1_4-.Ltmp4, $1  }
0x3b: {  	_ =	sdelay $0x3  }
.LBB1_6:
0x3c: {  	_ =	sfence.sel $0x180000  }
0x3d: {  	s2 =	simm.s32 $0x1;
	[bflag:$0x0] =	sbarrier.arrive $0xFFFF  }
0x3e: {  	s31 =	simm.s32 $0x2;
	[sflag:s2] =	ssyncpa.u1 $0x1  }
0x3f: {  	[sflag:s31] =	ssyncpa.u1 $0x1  }
0x40: {  	p0 =	sne.s32 s0, $0x0;
	_ =	strace $0x9000004A  }
0x41: {  	s0 =	sadd.s32 @!p0 $0x100000, s1;
	[bflag:$0x2] =	sbarrier.arrive $0xFFFF  }
0x42: {  	[sflag:s0] =	ssyncadd.tile.s32 @!p0 $0x1;
	_ =	shalt  }
.Lfunc_end1:
_tile_overlayer_lowered:
.L_overlay_start_2:
0x43: {  	(tag) =	ssettag $0x2  }
0x44: {  	s0 =	rddreg [dreg:$0x0];
	s2 =	stileid.u32  }
0x45: {  	s1 =	rddreg [dreg:$0x1];
	p0 =	sne.s32 s2, $0x0  }
0x46: {  	s3 =	rddreg [dreg:$0x2];
	[bflag:$0x3] =	sbarrier.arrive $0xFFFF;
	s2 =	simm.s32 @!p0 $0x1C01  }
0x47: {  	[timem:s3], [sflag:s2] =	dma.local @!p0 [hbm:s0], s1  }
0x48: {  	s0 =	simm.s32 @!p0 $0x1  }
0x49: {  	_ =	swait.ge @!p0 [sflag:s0], s1  }
0x4a: {  	s1 =	ssub.s32 @!p0 $0x0, s1;
	[sflag:s0] =	ssyncset.done @!p0 $0x0  }
0x4b: {  	[sflag:s0] =	ssyncadd.s32 @!p0 s1  }
0x4c: {  	[bflag:$0x3] =	sbarrier.arrive $0xFFFF  }
0x4d: {  	_ =	shalt  }

</sc_bundles>
